<compile_context>
chip_gen: v7x
topology: tpu7x:2x2x1
jax: 0.10.2.dev20260603
libtpu: 0.0.44.dev20260713+nightly
codegen_flags: <defaults>
</compile_context>

<pallas_src>
import jax
import jax.numpy as jnp
from jax import lax
from jax.experimental import pallas as pl
from jax.experimental.pallas import tpu as pltpu
from jax.experimental.pallas import tpu_sc as plsc

N = 2_000_000
R = 128
C = 8000
CHUNKS = N // C
NW = 32
ITERS = (CHUNKS + NW - 1) // NW


def _body(x_hbm, y_hbm, z_hbm, b_hbm, tab_hbm, out_hbm,
          xv, yv, zv, bv, idxv, gv, sem_in, sem_g, sem_o):
    w = lax.axis_index("s") * 2 + lax.axis_index("c")

    def start_in(k, p):
        c = w + NW * k

        @pl.when(c < CHUNKS)
        def _():
            sl = pl.ds(c * C, C)
            pltpu.async_copy(x_hbm.at[sl], xv[p], sem_in[p])
            pltpu.async_copy(y_hbm.at[sl], yv[p], sem_in[p])
            pltpu.async_copy(z_hbm.at[sl], zv[p], sem_in[p])
            pltpu.async_copy(b_hbm.at[sl], bv[p], sem_in[p])

    def wait_in(k, p):
        c = w + NW * k

        @pl.when(c < CHUNKS)
        def _():
            sl = pl.ds(0, C)
            pltpu.make_async_copy(x_hbm.at[sl], xv[p], sem_in[p]).wait()
            pltpu.make_async_copy(y_hbm.at[sl], yv[p], sem_in[p]).wait()
            pltpu.make_async_copy(z_hbm.at[sl], zv[p], sem_in[p]).wait()
            pltpu.make_async_copy(b_hbm.at[sl], bv[p], sem_in[p]).wait()

    def compute(k, p):
        c = w + NW * k

        @pl.when(c < CHUNKS)
        def _():
            def step(i, carry):
                s = pl.ds(i * 16, 16)
                xf = xv[p][s]
                yf = yv[p][s]
                zf = zv[p][s]
                bi = bv[p][s]
                gx = ((xf * 0.5 + 0.5) * 128.0).astype(jnp.int32)
                gy = ((yf * 0.5 + 0.5) * 128.0).astype(jnp.int32)
                gz = ((zf * 0.5 + 0.5) * 128.0).astype(jnp.int32)
                gx = jnp.minimum(jnp.maximum(gx, 0), 127)
                gy = jnp.minimum(jnp.maximum(gy, 0), 127)
                gz = jnp.minimum(jnp.maximum(gz, 0), 127)
                f = ((bi * 128 + gx) * 128 + gy) * 128 + gz
                idxv[p][s] = f
                return carry

            lax.fori_loop(0, C // 16, step, 0)

    def fire_gather(k, p):
        c = w + NW * k

        @pl.when(c < CHUNKS)
        def _():
            pltpu.async_copy(tab_hbm.at[idxv[p]], gv[p], sem_g[p])

    def wait_out(k, p):
        c = w + NW * k

        @pl.when(c < CHUNKS)
        def _():
            pltpu.make_async_copy(gv[p], out_hbm.at[pl.ds(0, C)], sem_o[p]).wait()

    def drain_gather(k, p):
        c = w + NW * k

        @pl.when(c < CHUNKS)
        def _():
            pltpu.make_async_copy(tab_hbm.at[idxv[p]], gv[p], sem_g[p]).wait()
            pltpu.async_copy(gv[p], out_hbm.at[pl.ds(c * C, C)], sem_o[p])

    start_in(0, 0)

    def outer(it, carry):
        for p in (0, 1):
            k = 2 * it + p
            wait_in(k, p)
            compute(k, p)

            @pl.when(k > 1)
            def _():
                wait_out(k - 2, p)

            fire_gather(k, p)

            @pl.when(k > 0)
            def _():
                drain_gather(k - 1, p ^ 1)

            start_in(k + 1, p ^ 1)
        return carry

    lax.fori_loop(0, ITERS // 2, outer, 0)
    drain_gather(ITERS - 1, (ITERS - 1) & 1)
    wait_out(ITERS - 2, (ITERS - 2) & 1)
    wait_out(ITERS - 1, (ITERS - 1) & 1)


def kernel(pts, bidx, occ_grid_per_batch, resolution):
    x = pts[:, 0]
    y = pts[:, 1]
    z = pts[:, 2]
    tab = occ_grid_per_batch.reshape(-1)

    mesh = plsc.VectorSubcoreMesh(core_axis_name="c", subcore_axis_name="s")
    out = pl.kernel(
        _body,
        out_type=jax.ShapeDtypeStruct((N,), jnp.bool_),
        mesh=mesh,
        scratch_types=[
            [pltpu.VMEM((C,), jnp.float32)] * 2,
            [pltpu.VMEM((C,), jnp.float32)] * 2,
            [pltpu.VMEM((C,), jnp.float32)] * 2,
            [pltpu.VMEM((C,), jnp.int32)] * 2,
            [pltpu.VMEM((C,), jnp.int32)] * 2,
            [pltpu.VMEM((C,), jnp.bool_)] * 2,
            [pltpu.SemaphoreType.DMA] * 2,
            [pltpu.SemaphoreType.DMA] * 2,
            [pltpu.SemaphoreType.DMA] * 2,
        ],
    )(x, y, z, bidx, tab)
    return out

# --- scband reference (transcript-rebuilt; emitter-appended) ---
"""Pipeline reference for scband-occ-grid-accel-batched-base-21242908246557 (READ-ONLY COPY).

The authoritative reference and input builder live on the scoring server;
editing this copy changes nothing except your own understanding.
"""

import jax, jax.numpy as jnp
import numpy as np

B = 16
R = 128
N = 2000000

def setup_inputs(seed: int = 0) -> dict:
    key = jax.random.key(seed)
    k1, k2, k3 = jax.random.split(key, 3)
    # pts expected in range [-1, 1]
    pts = jax.random.uniform(k1, (N, 3), jnp.float32, -1.0, 1.0)
    bidx = jax.random.randint(k2, (N,), 0, B, dtype=jnp.int32)
    # occupancy grid state (set via set_condition in the original module): ~20% occupied
    occ_grid_per_batch = jax.random.uniform(k3, (B, R, R, R), jnp.float32) < 0.2
    resolution = jnp.array([R, R, R], dtype=jnp.int32)
    return {"pts": pts, "bidx": bidx, "occ_grid_per_batch": occ_grid_per_batch, "resolution": resolution}

def reference(pts, bidx, occ_grid_per_batch, resolution):
    # Faithful translation of cur_batch__query_occupancy:
    # gidx = ((pts / 2 + 0.5) * resolution).long().clamp(0, resolution - 1)
    res_f = resolution.astype(jnp.float32)
    gidx = ((pts / 2.0 + 0.5) * res_f).astype(jnp.int32)
    gidx = jnp.clip(gidx, 0, resolution - 1)
    gx, gy, gz = gidx[..., 0], gidx[..., 1], gidx[..., 2]
    # occ_grid_per_batch[(bidx,) + tuple(gidx.movedim(-1, 0))] -> advanced-index gather
    occ = occ_grid_per_batch[bidx, gx, gy, gz]
    return occ

if __name__ == "__main__":
    import jax
    _d = setup_inputs()
    print(jax.jit(kernel)(*tuple(_d.values())))

</pallas_src>

<mosaic_0001>
#map = affine_map<(d0, d1) -> (0)>
module attributes {stable_mosaic.version = 14 : i64} {
  func.func @_body(%arg0: i32, %arg1: i32, %arg2: memref<2000000xf32, #tpu.memory_space<hbm>>, %arg3: memref<2000000xf32, #tpu.memory_space<hbm>>, %arg4: memref<2000000xf32, #tpu.memory_space<hbm>>, %arg5: memref<2000000xi32, #tpu.memory_space<hbm>>, %arg6: memref<33554432xi32, #tpu.memory_space<hbm>>, %arg7: memref<2000000xi32, #tpu.memory_space<hbm>>, %arg8: memref<8000xf32, #tpu.memory_space<vmem>>, %arg9: memref<8000xf32, #tpu.memory_space<vmem>>, %arg10: memref<8000xf32, #tpu.memory_space<vmem>>, %arg11: memref<8000xf32, #tpu.memory_space<vmem>>, %arg12: memref<8000xf32, #tpu.memory_space<vmem>>, %arg13: memref<8000xf32, #tpu.memory_space<vmem>>, %arg14: memref<8000xi32, #tpu.memory_space<vmem>>, %arg15: memref<8000xi32, #tpu.memory_space<vmem>>, %arg16: memref<8000xi32, #tpu.memory_space<vmem>>, %arg17: memref<8000xi32, #tpu.memory_space<vmem>>, %arg18: memref<8000xi32, #tpu.memory_space<vmem>>, %arg19: memref<8000xi32, #tpu.memory_space<vmem>>, %arg20: memref<!tpu.dma_semaphore, #tpu.memory_space<semaphore_mem>>, %arg21: memref<!tpu.dma_semaphore, #tpu.memory_space<semaphore_mem>>, %arg22: memref<!tpu.dma_semaphore, #tpu.memory_space<semaphore_mem>>, %arg23: memref<!tpu.dma_semaphore, #tpu.memory_space<semaphore_mem>>, %arg24: memref<!tpu.dma_semaphore, #tpu.memory_space<semaphore_mem>>, %arg25: memref<!tpu.dma_semaphore, #tpu.memory_space<semaphore_mem>>) attributes {dimension_semantics = [#tpu.dimension_semantics<core_parallel>, #tpu.dimension_semantics<subcore_parallel>], iteration_bounds = array<i64: 2, 16>, scalar_prefetch = 0 : i64, scratch_operands = 18 : i64, tpu.core_type = #tpu.core_type<sc_vector_subcore>, window_params = [{transform_indices = #map}, {transform_indices = #map}, {transform_indices = #map}, {transform_indices = #map}, {transform_indices = #map}, {transform_indices = #map}]} {
    %mul3A = arith.constant 2 : i32
    %mul3A_0 = arith.muli %arg1, %mul3A : i32
    %add3A = arith.addi %mul3A_0, %arg0 : i32
    %add3A_1 = arith.constant 0 : i32
    %add3A_2 = arith.addi %add3A, %add3A_1 : i32
    %lt3A = arith.constant 250 : i32
    %lt3A_3 = arith.cmpi slt, %add3A_2, %lt3A : i32
    %convert_element_type3A = arith.extui %lt3A_3 : i1 to i32
    %cond3A = arith.constant 0 : i32
    %cond3A_4 = arith.cmpi ne, %convert_element_type3A, %cond3A : i32
    scf.if %cond3A_4 {
      %mul3A_31 = arith.constant 8000 : i32
      %mul3A_32 = arith.muli %add3A_2, %mul3A_31 : i32
      %dma_start3A = tpu.memref_slice %arg2[%mul3A_32] : memref<2000000xf32, #tpu.memory_space<hbm>> -> memref<8000xf32, #tpu.memory_space<hbm>>
      %dma_start3A_33 = tpu.memref_slice %arg2[%mul3A_32] : memref<2000000xf32, #tpu.memory_space<hbm>> -> memref<8000xf32, #tpu.memory_space<hbm>>
      tpu.enqueue_dma source(%dma_start3A_33 : memref<8000xf32, #tpu.memory_space<hbm>>) target(%arg8 : memref<8000xf32, #tpu.memory_space<vmem>>) target_semaphore(%arg20 : memref<!tpu.dma_semaphore, #tpu.memory_space<semaphore_mem>>)
      %dma_start3A_34 = tpu.memref_slice %arg3[%mul3A_32] : memref<2000000xf32, #tpu.memory_space<hbm>> -> memref<8000xf32, #tpu.memory_space<hbm>>
      %dma_start3A_35 = tpu.memref_slice %arg3[%mul3A_32] : memref<2000000xf32, #tpu.memory_space<hbm>> -> memref<8000xf32, #tpu.memory_space<hbm>>
      tpu.enqueue_dma source(%dma_start3A_35 : memref<8000xf32, #tpu.memory_space<hbm>>) target(%arg10 : memref<8000xf32, #tpu.memory_space<vmem>>) target_semaphore(%arg20 : memref<!tpu.dma_semaphore, #tpu.memory_space<semaphore_mem>>)
      %dma_start3A_36 = tpu.memref_slice %arg4[%mul3A_32] : memref<2000000xf32, #tpu.memory_space<hbm>> -> memref<8000xf32, #tpu.memory_space<hbm>>
      %dma_start3A_37 = tpu.memref_slice %arg4[%mul3A_32] : memref<2000000xf32, #tpu.memory_space<hbm>> -> memref<8000xf32, #tpu.memory_space<hbm>>
      tpu.enqueue_dma source(%dma_start3A_37 : memref<8000xf32, #tpu.memory_space<hbm>>) target(%arg12 : memref<8000xf32, #tpu.memory_space<vmem>>) target_semaphore(%arg20 : memref<!tpu.dma_semaphore, #tpu.memory_space<semaphore_mem>>)
      %dma_start3A_38 = tpu.memref_slice %arg5[%mul3A_32] : memref<2000000xi32, #tpu.memory_space<hbm>> -> memref<8000xi32, #tpu.memory_space<hbm>>
      %dma_start3A_39 = tpu.memref_slice %arg5[%mul3A_32] : memref<2000000xi32, #tpu.memory_space<hbm>> -> memref<8000xi32, #tpu.memory_space<hbm>>
      tpu.enqueue_dma source(%dma_start3A_39 : memref<8000xi32, #tpu.memory_space<hbm>>) target(%arg14 : memref<8000xi32, #tpu.memory_space<vmem>>) target_semaphore(%arg20 : memref<!tpu.dma_semaphore, #tpu.memory_space<semaphore_mem>>)
    } else {
    }
    %scan3A = arith.constant 0 : i32
    %scan3A_5 = arith.constant 0 : i32
    %scan3A_6 = arith.constant 4 : i32
    %scan3A_7 = arith.addi %scan3A_5, %scan3A_6 : i32
    %scan3A_8 = arith.constant 1 : i32
    scf.for %scan3A_31 = %scan3A_5 to %scan3A_7 step %scan3A_8  : i32 {
      %mul3A_32 = arith.constant 2 : i32
      %mul3A_33 = arith.muli %mul3A_32, %scan3A_31 : i32
      %add3A_34 = arith.constant 0 : i32
      %add3A_35 = arith.addi %mul3A_33, %add3A_34 : i32
      %mul3A_36 = arith.constant 32 : i32
      %mul3A_37 = arith.muli %mul3A_36, %add3A_35 : i32
      %add3A_38 = arith.addi %add3A, %mul3A_37 : i32
      %lt3A_39 = arith.constant 250 : i32
      %lt3A_40 = arith.cmpi slt, %add3A_38, %lt3A_39 : i32
      %convert_element_type3A_41 = arith.extui %lt3A_40 : i1 to i32
      %cond3A_42 = arith.constant 0 : i32
      %cond3A_43 = arith.cmpi ne, %convert_element_type3A_41, %cond3A_42 : i32
      scf.if %cond3A_43 {
        %dma_wait3A = arith.constant 0 : i32
        %dma_wait3A_127 = tpu.memref_slice %arg2[%dma_wait3A] : memref<2000000xf32, #tpu.memory_space<hbm>> -> memref<8000xf32, #tpu.memory_space<hbm>>
        %dma_wait3A_128 = arith.constant 0 : i32
        %dma_wait3A_129 = tpu.memref_slice %arg2[%dma_wait3A_128] : memref<2000000xf32, #tpu.memory_space<hbm>> -> memref<8000xf32, #tpu.memory_space<hbm>>
        tpu.wait_dma2 semaphore(%arg20 : memref<!tpu.dma_semaphore, #tpu.memory_space<semaphore_mem>>) src(%dma_wait3A_129 : memref<8000xf32, #tpu.memory_space<hbm>>) dst(%arg8 : memref<8000xf32, #tpu.memory_space<vmem>>)
        %dma_wait3A_130 = arith.constant 0 : i32
        %dma_wait3A_131 = tpu.memref_slice %arg3[%dma_wait3A_130] : memref<2000000xf32, #tpu.memory_space<hbm>> -> memref<8000xf32, #tpu.memory_space<hbm>>
        %dma_wait3A_132 = arith.constant 0 : i32
        %dma_wait3A_133 = tpu.memref_slice %arg3[%dma_wait3A_132] : memref<2000000xf32, #tpu.memory_space<hbm>> -> memref<8000xf32, #tpu.memory_space<hbm>>
        tpu.wait_dma2 semaphore(%arg20 : memref<!tpu.dma_semaphore, #tpu.memory_space<semaphore_mem>>) src(%dma_wait3A_133 : memref<8000xf32, #tpu.memory_space<hbm>>) dst(%arg10 : memref<8000xf32, #tpu.memory_space<vmem>>)
        %dma_wait3A_134 = arith.constant 0 : i32
        %dma_wait3A_135 = tpu.memref_slice %arg4[%dma_wait3A_134] : memref<2000000xf32, #tpu.memory_space<hbm>> -> memref<8000xf32, #tpu.memory_space<hbm>>
        %dma_wait3A_136 = arith.constant 0 : i32
        %dma_wait3A_137 = tpu.memref_slice %arg4[%dma_wait3A_136] : memref<2000000xf32, #tpu.memory_space<hbm>> -> memref<8000xf32, #tpu.memory_space<hbm>>
        tpu.wait_dma2 semaphore(%arg20 : memref<!tpu.dma_semaphore, #tpu.memory_space<semaphore_mem>>) src(%dma_wait3A_137 : memref<8000xf32, #tpu.memory_space<hbm>>) dst(%arg12 : memref<8000xf32, #tpu.memory_space<vmem>>)
        %dma_wait3A_138 = arith.constant 0 : i32
        %dma_wait3A_139 = tpu.memref_slice %arg5[%dma_wait3A_138] : memref<2000000xi32, #tpu.memory_space<hbm>> -> memref<8000xi32, #tpu.memory_space<hbm>>
        %dma_wait3A_140 = arith.constant 0 : i32
        %dma_wait3A_141 = tpu.memref_slice %arg5[%dma_wait3A_140] : memref<2000000xi32, #tpu.memory_space<hbm>> -> memref<8000xi32, #tpu.memory_space<hbm>>
        tpu.wait_dma2 semaphore(%arg20 : memref<!tpu.dma_semaphore, #tpu.memory_space<semaphore_mem>>) src(%dma_wait3A_141 : memref<8000xi32, #tpu.memory_space<hbm>>) dst(%arg14 : memref<8000xi32, #tpu.memory_space<vmem>>)
      } else {
      }
      %mul3A_44 = arith.constant 32 : i32
      %mul3A_45 = arith.muli %mul3A_44, %add3A_35 : i32
      %add3A_46 = arith.addi %add3A, %mul3A_45 : i32
      %lt3A_47 = arith.constant 250 : i32
      %lt3A_48 = arith.cmpi slt, %add3A_46, %lt3A_47 : i32
      %convert_element_type3A_49 = arith.extui %lt3A_48 : i1 to i32
      %cond3A_50 = arith.constant 0 : i32
      %cond3A_51 = arith.cmpi ne, %convert_element_type3A_49, %cond3A_50 : i32
      scf.if %cond3A_51 {
        %scan3A_127 = arith.constant 0 : i32
        %scan3A_128 = arith.constant 0 : i32
        %scan3A_129 = arith.constant 500 : i32
        %scan3A_130 = arith.addi %scan3A_128, %scan3A_129 : i32
        %scan3A_131 = arith.constant 1 : i32
        scf.for %scan3A_133 = %scan3A_128 to %scan3A_130 step %scan3A_131  : i32 {
          %mul3A_134 = arith.constant 16 : i32
          %mul3A_135 = arith.muli %scan3A_133, %mul3A_134 : i32
          %get3A = arith.index_cast %mul3A_135 : i32 to index
          %get3A_136 = tpu.vector_load %arg8[%get3A] {strides = array<i32>} : memref<8000xf32, #tpu.memory_space<vmem>>, vector<16xf32>,
          %get3A_137 = vector.shape_cast %get3A_136 : vector<16xf32> to vector<16xf32>
          %get3A_138 = arith.index_cast %mul3A_135 : i32 to index
          %get3A_139 = tpu.vector_load %arg10[%get3A_138] {strides = array<i32>} : memref<8000xf32, #tpu.memory_space<vmem>>, vector<16xf32>,
          %get3A_140 = vector.shape_cast %get3A_139 : vector<16xf32> to vector<16xf32>
          %get3A_141 = arith.index_cast %mul3A_135 : i32 to index
          %get3A_142 = tpu.vector_load %arg12[%get3A_141] {strides = array<i32>} : memref<8000xf32, #tpu.memory_space<vmem>>, vector<16xf32>,
          %get3A_143 = vector.shape_cast %get3A_142 : vector<16xf32> to vector<16xf32>
          %get3A_144 = arith.index_cast %mul3A_135 : i32 to index
          %get3A_145 = tpu.vector_load %arg14[%get3A_144] {strides = array<i32>} : memref<8000xi32, #tpu.memory_space<vmem>>, vector<16xi32>,
          %get3A_146 = vector.shape_cast %get3A_145 : vector<16xi32> to vector<16xi32>
          %mul3A_147 = arith.constant 5.000000e-01 : f32
          %mul3A_148 = vector.broadcast %mul3A_147 : f32 to vector<16xf32>
          %mul3A_149 = arith.mulf %get3A_137, %mul3A_148 : vector<16xf32>
          %add3A_150 = arith.constant 5.000000e-01 : f32
          %add3A_151 = vector.broadcast %add3A_150 : f32 to vector<16xf32>
          %add3A_152 = arith.addf %mul3A_149, %add3A_151 : vector<16xf32>
          %mul3A_153 = arith.constant 1.280000e+02 : f32
          %mul3A_154 = vector.broadcast %mul3A_153 : f32 to vector<16xf32>
          %mul3A_155 = arith.mulf %add3A_152, %mul3A_154 : vector<16xf32>
          %convert_element_type3A_156 = arith.fptosi %mul3A_155 : vector<16xf32> to vector<16xi32>
          %mul3A_157 = arith.constant 5.000000e-01 : f32
          %mul3A_158 = vector.broadcast %mul3A_157 : f32 to vector<16xf32>
          %mul3A_159 = arith.mulf %get3A_140, %mul3A_158 : vector<16xf32>
          %add3A_160 = arith.constant 5.000000e-01 : f32
          %add3A_161 = vector.broadcast %add3A_160 : f32 to vector<16xf32>
          %add3A_162 = arith.addf %mul3A_159, %add3A_161 : vector<16xf32>
          %mul3A_163 = arith.constant 1.280000e+02 : f32
          %mul3A_164 = vector.broadcast %mul3A_163 : f32 to vector<16xf32>
          %mul3A_165 = arith.mulf %add3A_162, %mul3A_164 : vector<16xf32>
          %convert_element_type3A_166 = arith.fptosi %mul3A_165 : vector<16xf32> to vector<16xi32>
          %mul3A_167 = arith.constant 5.000000e-01 : f32
          %mul3A_168 = vector.broadcast %mul3A_167 : f32 to vector<16xf32>
          %mul3A_169 = arith.mulf %get3A_143, %mul3A_168 : vector<16xf32>
          %add3A_170 = arith.constant 5.000000e-01 : f32
          %add3A_171 = vector.broadcast %add3A_170 : f32 to vector<16xf32>
          %add3A_172 = arith.addf %mul3A_169, %add3A_171 : vector<16xf32>
          %mul3A_173 = arith.constant 1.280000e+02 : f32
          %mul3A_174 = vector.broadcast %mul3A_173 : f32 to vector<16xf32>
          %mul3A_175 = arith.mulf %add3A_172, %mul3A_174 : vector<16xf32>
          %convert_element_type3A_176 = arith.fptosi %mul3A_175 : vector<16xf32> to vector<16xi32>
          %max3A = arith.constant 0 : i32
          %max3A_177 = vector.broadcast %max3A : i32 to vector<16xi32>
          %max3A_178 = arith.maxsi %convert_element_type3A_156, %max3A_177 : vector<16xi32>
          %min3A = arith.constant 127 : i32
          %min3A_179 = vector.broadcast %min3A : i32 to vector<16xi32>
          %min3A_180 = arith.minsi %max3A_178, %min3A_179 : vector<16xi32>
          %max3A_181 = arith.constant 0 : i32
          %max3A_182 = vector.broadcast %max3A_181 : i32 to vector<16xi32>
          %max3A_183 = arith.maxsi %convert_element_type3A_166, %max3A_182 : vector<16xi32>
          %min3A_184 = arith.constant 127 : i32
          %min3A_185 = vector.broadcast %min3A_184 : i32 to vector<16xi32>
          %min3A_186 = arith.minsi %max3A_183, %min3A_185 : vector<16xi32>
          %max3A_187 = arith.constant 0 : i32
          %max3A_188 = vector.broadcast %max3A_187 : i32 to vector<16xi32>
          %max3A_189 = arith.maxsi %convert_element_type3A_176, %max3A_188 : vector<16xi32>
          %min3A_190 = arith.constant 127 : i32
          %min3A_191 = vector.broadcast %min3A_190 : i32 to vector<16xi32>
          %min3A_192 = arith.minsi %max3A_189, %min3A_191 : vector<16xi32>
          %mul3A_193 = arith.constant 128 : i32
          %mul3A_194 = vector.broadcast %mul3A_193 : i32 to vector<16xi32>
          %mul3A_195 = arith.muli %get3A_146, %mul3A_194 : vector<16xi32>
          %add3A_196 = arith.addi %mul3A_195, %min3A_180 : vector<16xi32>
          %mul3A_197 = arith.constant 128 : i32
          %mul3A_198 = vector.broadcast %mul3A_197 : i32 to vector<16xi32>
          %mul3A_199 = arith.muli %add3A_196, %mul3A_198 : vector<16xi32>
          %add3A_200 = arith.addi %mul3A_199, %min3A_186 : vector<16xi32>
          %mul3A_201 = arith.constant 128 : i32
          %mul3A_202 = vector.broadcast %mul3A_201 : i32 to vector<16xi32>
          %mul3A_203 = arith.muli %add3A_200, %mul3A_202 : vector<16xi32>
          %add3A_204 = arith.addi %mul3A_203, %min3A_192 : vector<16xi32>
          %swap3A = arith.index_cast %mul3A_135 : i32 to index
          %swap3A_205 = tpu.vector_load %arg16[%swap3A] {strides = array<i32>} : memref<8000xi32, #tpu.memory_space<vmem>>, vector<16xi32>,
          %swap3A_206 = vector.shape_cast %swap3A_205 : vector<16xi32> to vector<16xi32>
          %swap3A_207 = vector.shape_cast %add3A_204 : vector<16xi32> to vector<16xi32>
          tpu.vector_store %arg16[%swap3A], %swap3A_207 {strides = array<i32>} : memref<8000xi32, #tpu.memory_space<vmem>>, vector<16xi32>,
        }
        %scan3A_132 = arith.constant 500 : i32
      } else {
      }
      %gt3A = arith.constant 1 : i32
      %gt3A_52 = arith.cmpi sgt, %add3A_35, %gt3A : i32
      %convert_element_type3A_53 = arith.extui %gt3A_52 : i1 to i32
      %cond3A_54 = arith.constant 0 : i32
      %cond3A_55 = arith.cmpi ne, %convert_element_type3A_53, %cond3A_54 : i32
      scf.if %cond3A_55 {
        %sub3A = arith.constant 2 : i32
        %sub3A_127 = arith.subi %add3A_35, %sub3A : i32
        %mul3A_128 = arith.constant 32 : i32
        %mul3A_129 = arith.muli %mul3A_128, %sub3A_127 : i32
        %add3A_130 = arith.addi %add3A, %mul3A_129 : i32
        %lt3A_131 = arith.constant 250 : i32
        %lt3A_132 = arith.cmpi slt, %add3A_130, %lt3A_131 : i32
        %convert_element_type3A_133 = arith.extui %lt3A_132 : i1 to i32
        %cond3A_134 = arith.constant 0 : i32
        %cond3A_135 = arith.cmpi ne, %convert_element_type3A_133, %cond3A_134 : i32
        scf.if %cond3A_135 {
          %dma_wait3A = arith.constant 0 : i32
          %dma_wait3A_136 = tpu.memref_slice %arg7[%dma_wait3A] : memref<2000000xi32, #tpu.memory_space<hbm>> -> memref<8000xi32, #tpu.memory_space<hbm>>
          %dma_wait3A_137 = arith.constant 0 : i32
          %dma_wait3A_138 = tpu.memref_slice %arg7[%dma_wait3A_137] : memref<2000000xi32, #tpu.memory_space<hbm>> -> memref<8000xi32, #tpu.memory_space<hbm>>
          tpu.wait_dma2 semaphore(%arg24 : memref<!tpu.dma_semaphore, #tpu.memory_space<semaphore_mem>>) src(%arg18 : memref<8000xi32, #tpu.memory_space<vmem>>) dst(%dma_wait3A_138 : memref<8000xi32, #tpu.memory_space<hbm>>)
        } else {
        }
      } else {
      }
      %mul3A_56 = arith.constant 32 : i32
      %mul3A_57 = arith.muli %mul3A_56, %add3A_35 : i32
      %add3A_58 = arith.addi %add3A, %mul3A_57 : i32
      %lt3A_59 = arith.constant 250 : i32
      %lt3A_60 = arith.cmpi slt, %add3A_58, %lt3A_59 : i32
      %convert_element_type3A_61 = arith.extui %lt3A_60 : i1 to i32
      %cond3A_62 = arith.constant 0 : i32
      %cond3A_63 = arith.cmpi ne, %convert_element_type3A_61, %cond3A_62 : i32
      scf.if %cond3A_63 {
        %dma_start3A = arith.constant 0 : i32
        %dma_start3A_127 = tpu.memref_slice %arg6[%dma_start3A] : memref<33554432xi32, #tpu.memory_space<hbm>> -> memref<33554432xi32, #tpu.memory_space<hbm>>
        tpu.enqueue_indirect_dma source(%dma_start3A_127 : memref<33554432xi32, #tpu.memory_space<hbm>>) target(%arg18 : memref<8000xi32, #tpu.memory_space<vmem>>) offsets(%arg16 : memref<8000xi32, #tpu.memory_space<vmem>>) semaphore(%arg22 : memref<!tpu.dma_semaphore, #tpu.memory_space<semaphore_mem>>)
      } else {
      }
      %gt3A_64 = arith.constant 0 : i32
      %gt3A_65 = arith.cmpi sgt, %add3A_35, %gt3A_64 : i32
      %convert_element_type3A_66 = arith.extui %gt3A_65 : i1 to i32
      %cond3A_67 = arith.constant 0 : i32
      %cond3A_68 = arith.cmpi ne, %convert_element_type3A_66, %cond3A_67 : i32
      scf.if %cond3A_68 {
        %sub3A = arith.constant 1 : i32
        %sub3A_127 = arith.subi %add3A_35, %sub3A : i32
        %mul3A_128 = arith.constant 32 : i32
        %mul3A_129 = arith.muli %mul3A_128, %sub3A_127 : i32
        %add3A_130 = arith.addi %add3A, %mul3A_129 : i32
        %lt3A_131 = arith.constant 250 : i32
        %lt3A_132 = arith.cmpi slt, %add3A_130, %lt3A_131 : i32
        %convert_element_type3A_133 = arith.extui %lt3A_132 : i1 to i32
        %cond3A_134 = arith.constant 0 : i32
        %cond3A_135 = arith.cmpi ne, %convert_element_type3A_133, %cond3A_134 : i32
        scf.if %cond3A_135 {
          %dma_wait3A = arith.constant 0 : i32
          %dma_wait3A_136 = tpu.memref_slice %arg6[%dma_wait3A] : memref<33554432xi32, #tpu.memory_space<hbm>> -> memref<33554432xi32, #tpu.memory_space<hbm>>
          tpu.wait_indirect_dma semaphore(%arg23 : memref<!tpu.dma_semaphore, #tpu.memory_space<semaphore_mem>>) src(%dma_wait3A_136 : memref<33554432xi32, #tpu.memory_space<hbm>>) dst(%arg19 : memref<8000xi32, #tpu.memory_space<vmem>>)
          %mul3A_137 = arith.constant 8000 : i32
          %mul3A_138 = arith.muli %add3A_130, %mul3A_137 : i32
          %dma_start3A = tpu.memref_slice %arg7[%mul3A_138] : memref<2000000xi32, #tpu.memory_space<hbm>> -> memref<8000xi32, #tpu.memory_space<hbm>>
          %dma_start3A_139 = tpu.memref_slice %arg7[%mul3A_138] : memref<2000000xi32, #tpu.memory_space<hbm>> -> memref<8000xi32, #tpu.memory_space<hbm>>
          tpu.enqueue_dma source(%arg19 : memref<8000xi32, #tpu.memory_space<vmem>>) target(%dma_start3A_139 : memref<8000xi32, #tpu.memory_space<hbm>>) target_semaphore(%arg25 : memref<!tpu.dma_semaphore, #tpu.memory_space<semaphore_mem>>)
        } else {
        }
      } else {
      }
      %add3A_69 = arith.constant 1 : i32
      %add3A_70 = arith.addi %add3A_35, %add3A_69 : i32
      %mul3A_71 = arith.constant 32 : i32
      %mul3A_72 = arith.muli %mul3A_71, %add3A_70 : i32
      %add3A_73 = arith.addi %add3A, %mul3A_72 : i32
      %lt3A_74 = arith.constant 250 : i32
      %lt3A_75 = arith.cmpi slt, %add3A_73, %lt3A_74 : i32
      %convert_element_type3A_76 = arith.extui %lt3A_75 : i1 to i32
      %cond3A_77 = arith.constant 0 : i32
      %cond3A_78 = arith.cmpi ne, %convert_element_type3A_76, %cond3A_77 : i32
      scf.if %cond3A_78 {
        %mul3A_127 = arith.constant 8000 : i32
        %mul3A_128 = arith.muli %add3A_73, %mul3A_127 : i32
        %dma_start3A = tpu.memref_slice %arg2[%mul3A_128] : memref<2000000xf32, #tpu.memory_space<hbm>> -> memref<8000xf32, #tpu.memory_space<hbm>>
        %dma_start3A_129 = tpu.memref_slice %arg2[%mul3A_128] : memref<2000000xf32, #tpu.memory_space<hbm>> -> memref<8000xf32, #tpu.memory_space<hbm>>
        tpu.enqueue_dma source(%dma_start3A_129 : memref<8000xf32, #tpu.memory_space<hbm>>) target(%arg9 : memref<8000xf32, #tpu.memory_space<vmem>>) target_semaphore(%arg21 : memref<!tpu.dma_semaphore, #tpu.memory_space<semaphore_mem>>)
        %dma_start3A_130 = tpu.memref_slice %arg3[%mul3A_128] : memref<2000000xf32, #tpu.memory_space<hbm>> -> memref<8000xf32, #tpu.memory_space<hbm>>
        %dma_start3A_131 = tpu.memref_slice %arg3[%mul3A_128] : memref<2000000xf32, #tpu.memory_space<hbm>> -> memref<8000xf32, #tpu.memory_space<hbm>>
        tpu.enqueue_dma source(%dma_start3A_131 : memref<8000xf32, #tpu.memory_space<hbm>>) target(%arg11 : memref<8000xf32, #tpu.memory_space<vmem>>) target_semaphore(%arg21 : memref<!tpu.dma_semaphore, #tpu.memory_space<semaphore_mem>>)
        %dma_start3A_132 = tpu.memref_slice %arg4[%mul3A_128] : memref<2000000xf32, #tpu.memory_space<hbm>> -> memref<8000xf32, #tpu.memory_space<hbm>>
        %dma_start3A_133 = tpu.memref_slice %arg4[%mul3A_128] : memref<2000000xf32, #tpu.memory_space<hbm>> -> memref<8000xf32, #tpu.memory_space<hbm>>
        tpu.enqueue_dma source(%dma_start3A_133 : memref<8000xf32, #tpu.memory_space<hbm>>) target(%arg13 : memref<8000xf32, #tpu.memory_space<vmem>>) target_semaphore(%arg21 : memref<!tpu.dma_semaphore, #tpu.memory_space<semaphore_mem>>)
        %dma_start3A_134 = tpu.memref_slice %arg5[%mul3A_128] : memref<2000000xi32, #tpu.memory_space<hbm>> -> memref<8000xi32, #tpu.memory_space<hbm>>
        %dma_start3A_135 = tpu.memref_slice %arg5[%mul3A_128] : memref<2000000xi32, #tpu.memory_space<hbm>> -> memref<8000xi32, #tpu.memory_space<hbm>>
        tpu.enqueue_dma source(%dma_start3A_135 : memref<8000xi32, #tpu.memory_space<hbm>>) target(%arg15 : memref<8000xi32, #tpu.memory_space<vmem>>) target_semaphore(%arg21 : memref<!tpu.dma_semaphore, #tpu.memory_space<semaphore_mem>>)
      } else {
      }
      %mul3A_79 = arith.constant 2 : i32
      %mul3A_80 = arith.muli %mul3A_79, %scan3A_31 : i32
      %add3A_81 = arith.constant 1 : i32
      %add3A_82 = arith.addi %mul3A_80, %add3A_81 : i32
      %mul3A_83 = arith.constant 32 : i32
      %mul3A_84 = arith.muli %mul3A_83, %add3A_82 : i32
      %add3A_85 = arith.addi %add3A, %mul3A_84 : i32
      %lt3A_86 = arith.constant 250 : i32
      %lt3A_87 = arith.cmpi slt, %add3A_85, %lt3A_86 : i32
      %convert_element_type3A_88 = arith.extui %lt3A_87 : i1 to i32
      %cond3A_89 = arith.constant 0 : i32
      %cond3A_90 = arith.cmpi ne, %convert_element_type3A_88, %cond3A_89 : i32
      scf.if %cond3A_90 {
        %dma_wait3A = arith.constant 0 : i32
        %dma_wait3A_127 = tpu.memref_slice %arg2[%dma_wait3A] : memref<2000000xf32, #tpu.memory_space<hbm>> -> memref<8000xf32, #tpu.memory_space<hbm>>
        %dma_wait3A_128 = arith.constant 0 : i32
        %dma_wait3A_129 = tpu.memref_slice %arg2[%dma_wait3A_128] : memref<2000000xf32, #tpu.memory_space<hbm>> -> memref<8000xf32, #tpu.memory_space<hbm>>
        tpu.wait_dma2 semaphore(%arg21 : memref<!tpu.dma_semaphore, #tpu.memory_space<semaphore_mem>>) src(%dma_wait3A_129 : memref<8000xf32, #tpu.memory_space<hbm>>) dst(%arg9 : memref<8000xf32, #tpu.memory_space<vmem>>)
        %dma_wait3A_130 = arith.constant 0 : i32
        %dma_wait3A_131 = tpu.memref_slice %arg3[%dma_wait3A_130] : memref<2000000xf32, #tpu.memory_space<hbm>> -> memref<8000xf32, #tpu.memory_space<hbm>>
        %dma_wait3A_132 = arith.constant 0 : i32
        %dma_wait3A_133 = tpu.memref_slice %arg3[%dma_wait3A_132] : memref<2000000xf32, #tpu.memory_space<hbm>> -> memref<8000xf32, #tpu.memory_space<hbm>>
        tpu.wait_dma2 semaphore(%arg21 : memref<!tpu.dma_semaphore, #tpu.memory_space<semaphore_mem>>) src(%dma_wait3A_133 : memref<8000xf32, #tpu.memory_space<hbm>>) dst(%arg11 : memref<8000xf32, #tpu.memory_space<vmem>>)
        %dma_wait3A_134 = arith.constant 0 : i32
        %dma_wait3A_135 = tpu.memref_slice %arg4[%dma_wait3A_134] : memref<2000000xf32, #tpu.memory_space<hbm>> -> memref<8000xf32, #tpu.memory_space<hbm>>
        %dma_wait3A_136 = arith.constant 0 : i32
        %dma_wait3A_137 = tpu.memref_slice %arg4[%dma_wait3A_136] : memref<2000000xf32, #tpu.memory_space<hbm>> -> memref<8000xf32, #tpu.memory_space<hbm>>
        tpu.wait_dma2 semaphore(%arg21 : memref<!tpu.dma_semaphore, #tpu.memory_space<semaphore_mem>>) src(%dma_wait3A_137 : memref<8000xf32, #tpu.memory_space<hbm>>) dst(%arg13 : memref<8000xf32, #tpu.memory_space<vmem>>)
        %dma_wait3A_138 = arith.constant 0 : i32
        %dma_wait3A_139 = tpu.memref_slice %arg5[%dma_wait3A_138] : memref<2000000xi32, #tpu.memory_space<hbm>> -> memref<8000xi32, #tpu.memory_space<hbm>>
        %dma_wait3A_140 = arith.constant 0 : i32
        %dma_wait3A_141 = tpu.memref_slice %arg5[%dma_wait3A_140] : memref<2000000xi32, #tpu.memory_space<hbm>> -> memref<8000xi32, #tpu.memory_space<hbm>>
        tpu.wait_dma2 semaphore(%arg21 : memref<!tpu.dma_semaphore, #tpu.memory_space<semaphore_mem>>) src(%dma_wait3A_141 : memref<8000xi32, #tpu.memory_space<hbm>>) dst(%arg15 : memref<8000xi32, #tpu.memory_space<vmem>>)
      } else {
      }
      %mul3A_91 = arith.constant 32 : i32
      %mul3A_92 = arith.muli %mul3A_91, %add3A_82 : i32
      %add3A_93 = arith.addi %add3A, %mul3A_92 : i32
      %lt3A_94 = arith.constant 250 : i32
      %lt3A_95 = arith.cmpi slt, %add3A_93, %lt3A_94 : i32
      %convert_element_type3A_96 = arith.extui %lt3A_95 : i1 to i32
      %cond3A_97 = arith.constant 0 : i32
      %cond3A_98 = arith.cmpi ne, %convert_element_type3A_96, %cond3A_97 : i32
      scf.if %cond3A_98 {
        %scan3A_127 = arith.constant 0 : i32
        %scan3A_128 = arith.constant 0 : i32
        %scan3A_129 = arith.constant 500 : i32
        %scan3A_130 = arith.addi %scan3A_128, %scan3A_129 : i32
        %scan3A_131 = arith.constant 1 : i32
        scf.for %scan3A_133 = %scan3A_128 to %scan3A_130 step %scan3A_131  : i32 {
          %mul3A_134 = arith.constant 16 : i32
          %mul3A_135 = arith.muli %scan3A_133, %mul3A_134 : i32
          %get3A = arith.index_cast %mul3A_135 : i32 to index
          %get3A_136 = tpu.vector_load %arg9[%get3A] {strides = array<i32>} : memref<8000xf32, #tpu.memory_space<vmem>>, vector<16xf32>,
          %get3A_137 = vector.shape_cast %get3A_136 : vector<16xf32> to vector<16xf32>
          %get3A_138 = arith.index_cast %mul3A_135 : i32 to index
          %get3A_139 = tpu.vector_load %arg11[%get3A_138] {strides = array<i32>} : memref<8000xf32, #tpu.memory_space<vmem>>, vector<16xf32>,
          %get3A_140 = vector.shape_cast %get3A_139 : vector<16xf32> to vector<16xf32>
          %get3A_141 = arith.index_cast %mul3A_135 : i32 to index
          %get3A_142 = tpu.vector_load %arg13[%get3A_141] {strides = array<i32>} : memref<8000xf32, #tpu.memory_space<vmem>>, vector<16xf32>,
          %get3A_143 = vector.shape_cast %get3A_142 : vector<16xf32> to vector<16xf32>
          %get3A_144 = arith.index_cast %mul3A_135 : i32 to index
          %get3A_145 = tpu.vector_load %arg15[%get3A_144] {strides = array<i32>} : memref<8000xi32, #tpu.memory_space<vmem>>, vector<16xi32>,
          %get3A_146 = vector.shape_cast %get3A_145 : vector<16xi32> to vector<16xi32>
          %mul3A_147 = arith.constant 5.000000e-01 : f32
          %mul3A_148 = vector.broadcast %mul3A_147 : f32 to vector<16xf32>
          %mul3A_149 = arith.mulf %get3A_137, %mul3A_148 : vector<16xf32>
          %add3A_150 = arith.constant 5.000000e-01 : f32
          %add3A_151 = vector.broadcast %add3A_150 : f32 to vector<16xf32>
          %add3A_152 = arith.addf %mul3A_149, %add3A_151 : vector<16xf32>
          %mul3A_153 = arith.constant 1.280000e+02 : f32
          %mul3A_154 = vector.broadcast %mul3A_153 : f32 to vector<16xf32>
          %mul3A_155 = arith.mulf %add3A_152, %mul3A_154 : vector<16xf32>
          %convert_element_type3A_156 = arith.fptosi %mul3A_155 : vector<16xf32> to vector<16xi32>
          %mul3A_157 = arith.constant 5.000000e-01 : f32
          %mul3A_158 = vector.broadcast %mul3A_157 : f32 to vector<16xf32>
          %mul3A_159 = arith.mulf %get3A_140, %mul3A_158 : vector<16xf32>
          %add3A_160 = arith.constant 5.000000e-01 : f32
          %add3A_161 = vector.broadcast %add3A_160 : f32 to vector<16xf32>
          %add3A_162 = arith.addf %mul3A_159, %add3A_161 : vector<16xf32>
          %mul3A_163 = arith.constant 1.280000e+02 : f32
          %mul3A_164 = vector.broadcast %mul3A_163 : f32 to vector<16xf32>
          %mul3A_165 = arith.mulf %add3A_162, %mul3A_164 : vector<16xf32>
          %convert_element_type3A_166 = arith.fptosi %mul3A_165 : vector<16xf32> to vector<16xi32>
          %mul3A_167 = arith.constant 5.000000e-01 : f32
          %mul3A_168 = vector.broadcast %mul3A_167 : f32 to vector<16xf32>
          %mul3A_169 = arith.mulf %get3A_143, %mul3A_168 : vector<16xf32>
          %add3A_170 = arith.constant 5.000000e-01 : f32
          %add3A_171 = vector.broadcast %add3A_170 : f32 to vector<16xf32>
          %add3A_172 = arith.addf %mul3A_169, %add3A_171 : vector<16xf32>
          %mul3A_173 = arith.constant 1.280000e+02 : f32
          %mul3A_174 = vector.broadcast %mul3A_173 : f32 to vector<16xf32>
          %mul3A_175 = arith.mulf %add3A_172, %mul3A_174 : vector<16xf32>
          %convert_element_type3A_176 = arith.fptosi %mul3A_175 : vector<16xf32> to vector<16xi32>
          %max3A = arith.constant 0 : i32
          %max3A_177 = vector.broadcast %max3A : i32 to vector<16xi32>
          %max3A_178 = arith.maxsi %convert_element_type3A_156, %max3A_177 : vector<16xi32>
          %min3A = arith.constant 127 : i32
          %min3A_179 = vector.broadcast %min3A : i32 to vector<16xi32>
          %min3A_180 = arith.minsi %max3A_178, %min3A_179 : vector<16xi32>
          %max3A_181 = arith.constant 0 : i32
          %max3A_182 = vector.broadcast %max3A_181 : i32 to vector<16xi32>
          %max3A_183 = arith.maxsi %convert_element_type3A_166, %max3A_182 : vector<16xi32>
          %min3A_184 = arith.constant 127 : i32
          %min3A_185 = vector.broadcast %min3A_184 : i32 to vector<16xi32>
          %min3A_186 = arith.minsi %max3A_183, %min3A_185 : vector<16xi32>
          %max3A_187 = arith.constant 0 : i32
          %max3A_188 = vector.broadcast %max3A_187 : i32 to vector<16xi32>
          %max3A_189 = arith.maxsi %convert_element_type3A_176, %max3A_188 : vector<16xi32>
          %min3A_190 = arith.constant 127 : i32
          %min3A_191 = vector.broadcast %min3A_190 : i32 to vector<16xi32>
          %min3A_192 = arith.minsi %max3A_189, %min3A_191 : vector<16xi32>
          %mul3A_193 = arith.constant 128 : i32
          %mul3A_194 = vector.broadcast %mul3A_193 : i32 to vector<16xi32>
          %mul3A_195 = arith.muli %get3A_146, %mul3A_194 : vector<16xi32>
          %add3A_196 = arith.addi %mul3A_195, %min3A_180 : vector<16xi32>
          %mul3A_197 = arith.constant 128 : i32
          %mul3A_198 = vector.broadcast %mul3A_197 : i32 to vector<16xi32>
          %mul3A_199 = arith.muli %add3A_196, %mul3A_198 : vector<16xi32>
          %add3A_200 = arith.addi %mul3A_199, %min3A_186 : vector<16xi32>
          %mul3A_201 = arith.constant 128 : i32
          %mul3A_202 = vector.broadcast %mul3A_201 : i32 to vector<16xi32>
          %mul3A_203 = arith.muli %add3A_200, %mul3A_202 : vector<16xi32>
          %add3A_204 = arith.addi %mul3A_203, %min3A_192 : vector<16xi32>
          %swap3A = arith.index_cast %mul3A_135 : i32 to index
          %swap3A_205 = tpu.vector_load %arg17[%swap3A] {strides = array<i32>} : memref<8000xi32, #tpu.memory_space<vmem>>, vector<16xi32>,
          %swap3A_206 = vector.shape_cast %swap3A_205 : vector<16xi32> to vector<16xi32>
          %swap3A_207 = vector.shape_cast %add3A_204 : vector<16xi32> to vector<16xi32>
          tpu.vector_store %arg17[%swap3A], %swap3A_207 {strides = array<i32>} : memref<8000xi32, #tpu.memory_space<vmem>>, vector<16xi32>,
        }
        %scan3A_132 = arith.constant 500 : i32
      } else {
      }
      %gt3A_99 = arith.constant 1 : i32
      %gt3A_100 = arith.cmpi sgt, %add3A_82, %gt3A_99 : i32
      %convert_element_type3A_101 = arith.extui %gt3A_100 : i1 to i32
      %cond3A_102 = arith.constant 0 : i32
      %cond3A_103 = arith.cmpi ne, %convert_element_type3A_101, %cond3A_102 : i32
      scf.if %cond3A_103 {
        %sub3A = arith.constant 2 : i32
        %sub3A_127 = arith.subi %add3A_82, %sub3A : i32
        %mul3A_128 = arith.constant 32 : i32
        %mul3A_129 = arith.muli %mul3A_128, %sub3A_127 : i32
        %add3A_130 = arith.addi %add3A, %mul3A_129 : i32
        %lt3A_131 = arith.constant 250 : i32
        %lt3A_132 = arith.cmpi slt, %add3A_130, %lt3A_131 : i32
        %convert_element_type3A_133 = arith.extui %lt3A_132 : i1 to i32
        %cond3A_134 = arith.constant 0 : i32
        %cond3A_135 = arith.cmpi ne, %convert_element_type3A_133, %cond3A_134 : i32
        scf.if %cond3A_135 {
          %dma_wait3A = arith.constant 0 : i32
          %dma_wait3A_136 = tpu.memref_slice %arg7[%dma_wait3A] : memref<2000000xi32, #tpu.memory_space<hbm>> -> memref<8000xi32, #tpu.memory_space<hbm>>
          %dma_wait3A_137 = arith.constant 0 : i32
          %dma_wait3A_138 = tpu.memref_slice %arg7[%dma_wait3A_137] : memref<2000000xi32, #tpu.memory_space<hbm>> -> memref<8000xi32, #tpu.memory_space<hbm>>
          tpu.wait_dma2 semaphore(%arg25 : memref<!tpu.dma_semaphore, #tpu.memory_space<semaphore_mem>>) src(%arg19 : memref<8000xi32, #tpu.memory_space<vmem>>) dst(%dma_wait3A_138 : memref<8000xi32, #tpu.memory_space<hbm>>)
        } else {
        }
      } else {
      }
      %mul3A_104 = arith.constant 32 : i32
      %mul3A_105 = arith.muli %mul3A_104, %add3A_82 : i32
      %add3A_106 = arith.addi %add3A, %mul3A_105 : i32
      %lt3A_107 = arith.constant 250 : i32
      %lt3A_108 = arith.cmpi slt, %add3A_106, %lt3A_107 : i32
      %convert_element_type3A_109 = arith.extui %lt3A_108 : i1 to i32
      %cond3A_110 = arith.constant 0 : i32
      %cond3A_111 = arith.cmpi ne, %convert_element_type3A_109, %cond3A_110 : i32
      scf.if %cond3A_111 {
        %dma_start3A = arith.constant 0 : i32
        %dma_start3A_127 = tpu.memref_slice %arg6[%dma_start3A] : memref<33554432xi32, #tpu.memory_space<hbm>> -> memref<33554432xi32, #tpu.memory_space<hbm>>
        tpu.enqueue_indirect_dma source(%dma_start3A_127 : memref<33554432xi32, #tpu.memory_space<hbm>>) target(%arg19 : memref<8000xi32, #tpu.memory_space<vmem>>) offsets(%arg17 : memref<8000xi32, #tpu.memory_space<vmem>>) semaphore(%arg23 : memref<!tpu.dma_semaphore, #tpu.memory_space<semaphore_mem>>)
      } else {
      }
      %gt3A_112 = arith.constant 0 : i32
      %gt3A_113 = arith.cmpi sgt, %add3A_82, %gt3A_112 : i32
      %convert_element_type3A_114 = arith.extui %gt3A_113 : i1 to i32
      %cond3A_115 = arith.constant 0 : i32
      %cond3A_116 = arith.cmpi ne, %convert_element_type3A_114, %cond3A_115 : i32
      scf.if %cond3A_116 {
        %sub3A = arith.constant 1 : i32
        %sub3A_127 = arith.subi %add3A_82, %sub3A : i32
        %mul3A_128 = arith.constant 32 : i32
        %mul3A_129 = arith.muli %mul3A_128, %sub3A_127 : i32
        %add3A_130 = arith.addi %add3A, %mul3A_129 : i32
        %lt3A_131 = arith.constant 250 : i32
        %lt3A_132 = arith.cmpi slt, %add3A_130, %lt3A_131 : i32
        %convert_element_type3A_133 = arith.extui %lt3A_132 : i1 to i32
        %cond3A_134 = arith.constant 0 : i32
        %cond3A_135 = arith.cmpi ne, %convert_element_type3A_133, %cond3A_134 : i32
        scf.if %cond3A_135 {
          %dma_wait3A = arith.constant 0 : i32
          %dma_wait3A_136 = tpu.memref_slice %arg6[%dma_wait3A] : memref<33554432xi32, #tpu.memory_space<hbm>> -> memref<33554432xi32, #tpu.memory_space<hbm>>
          tpu.wait_indirect_dma semaphore(%arg22 : memref<!tpu.dma_semaphore, #tpu.memory_space<semaphore_mem>>) src(%dma_wait3A_136 : memref<33554432xi32, #tpu.memory_space<hbm>>) dst(%arg18 : memref<8000xi32, #tpu.memory_space<vmem>>)
          %mul3A_137 = arith.constant 8000 : i32
          %mul3A_138 = arith.muli %add3A_130, %mul3A_137 : i32
          %dma_start3A = tpu.memref_slice %arg7[%mul3A_138] : memref<2000000xi32, #tpu.memory_space<hbm>> -> memref<8000xi32, #tpu.memory_space<hbm>>
          %dma_start3A_139 = tpu.memref_slice %arg7[%mul3A_138] : memref<2000000xi32, #tpu.memory_space<hbm>> -> memref<8000xi32, #tpu.memory_space<hbm>>
          tpu.enqueue_dma source(%arg18 : memref<8000xi32, #tpu.memory_space<vmem>>) target(%dma_start3A_139 : memref<8000xi32, #tpu.memory_space<hbm>>) target_semaphore(%arg24 : memref<!tpu.dma_semaphore, #tpu.memory_space<semaphore_mem>>)
        } else {
        }
      } else {
      }
      %add3A_117 = arith.constant 1 : i32
      %add3A_118 = arith.addi %add3A_82, %add3A_117 : i32
      %mul3A_119 = arith.constant 32 : i32
      %mul3A_120 = arith.muli %mul3A_119, %add3A_118 : i32
      %add3A_121 = arith.addi %add3A, %mul3A_120 : i32
      %lt3A_122 = arith.constant 250 : i32
      %lt3A_123 = arith.cmpi slt, %add3A_121, %lt3A_122 : i32
      %convert_element_type3A_124 = arith.extui %lt3A_123 : i1 to i32
      %cond3A_125 = arith.constant 0 : i32
      %cond3A_126 = arith.cmpi ne, %convert_element_type3A_124, %cond3A_125 : i32
      scf.if %cond3A_126 {
        %mul3A_127 = arith.constant 8000 : i32
        %mul3A_128 = arith.muli %add3A_121, %mul3A_127 : i32
        %dma_start3A = tpu.memref_slice %arg2[%mul3A_128] : memref<2000000xf32, #tpu.memory_space<hbm>> -> memref<8000xf32, #tpu.memory_space<hbm>>
        %dma_start3A_129 = tpu.memref_slice %arg2[%mul3A_128] : memref<2000000xf32, #tpu.memory_space<hbm>> -> memref<8000xf32, #tpu.memory_space<hbm>>
        tpu.enqueue_dma source(%dma_start3A_129 : memref<8000xf32, #tpu.memory_space<hbm>>) target(%arg8 : memref<8000xf32, #tpu.memory_space<vmem>>) target_semaphore(%arg20 : memref<!tpu.dma_semaphore, #tpu.memory_space<semaphore_mem>>)
        %dma_start3A_130 = tpu.memref_slice %arg3[%mul3A_128] : memref<2000000xf32, #tpu.memory_space<hbm>> -> memref<8000xf32, #tpu.memory_space<hbm>>
        %dma_start3A_131 = tpu.memref_slice %arg3[%mul3A_128] : memref<2000000xf32, #tpu.memory_space<hbm>> -> memref<8000xf32, #tpu.memory_space<hbm>>
        tpu.enqueue_dma source(%dma_start3A_131 : memref<8000xf32, #tpu.memory_space<hbm>>) target(%arg10 : memref<8000xf32, #tpu.memory_space<vmem>>) target_semaphore(%arg20 : memref<!tpu.dma_semaphore, #tpu.memory_space<semaphore_mem>>)
        %dma_start3A_132 = tpu.memref_slice %arg4[%mul3A_128] : memref<2000000xf32, #tpu.memory_space<hbm>> -> memref<8000xf32, #tpu.memory_space<hbm>>
        %dma_start3A_133 = tpu.memref_slice %arg4[%mul3A_128] : memref<2000000xf32, #tpu.memory_space<hbm>> -> memref<8000xf32, #tpu.memory_space<hbm>>
        tpu.enqueue_dma source(%dma_start3A_133 : memref<8000xf32, #tpu.memory_space<hbm>>) target(%arg12 : memref<8000xf32, #tpu.memory_space<vmem>>) target_semaphore(%arg20 : memref<!tpu.dma_semaphore, #tpu.memory_space<semaphore_mem>>)
        %dma_start3A_134 = tpu.memref_slice %arg5[%mul3A_128] : memref<2000000xi32, #tpu.memory_space<hbm>> -> memref<8000xi32, #tpu.memory_space<hbm>>
        %dma_start3A_135 = tpu.memref_slice %arg5[%mul3A_128] : memref<2000000xi32, #tpu.memory_space<hbm>> -> memref<8000xi32, #tpu.memory_space<hbm>>
        tpu.enqueue_dma source(%dma_start3A_135 : memref<8000xi32, #tpu.memory_space<hbm>>) target(%arg14 : memref<8000xi32, #tpu.memory_space<vmem>>) target_semaphore(%arg20 : memref<!tpu.dma_semaphore, #tpu.memory_space<semaphore_mem>>)
      } else {
      }
    }
    %scan3A_9 = arith.constant 4 : i32
    %add3A_10 = arith.constant 224 : i32
    %add3A_11 = arith.addi %add3A, %add3A_10 : i32
    %lt3A_12 = arith.constant 250 : i32
    %lt3A_13 = arith.cmpi slt, %add3A_11, %lt3A_12 : i32
    %convert_element_type3A_14 = arith.extui %lt3A_13 : i1 to i32
    %cond3A_15 = arith.constant 0 : i32
    %cond3A_16 = arith.cmpi ne, %convert_element_type3A_14, %cond3A_15 : i32
    scf.if %cond3A_16 {
      %dma_wait3A = arith.constant 0 : i32
      %dma_wait3A_31 = tpu.memref_slice %arg6[%dma_wait3A] : memref<33554432xi32, #tpu.memory_space<hbm>> -> memref<33554432xi32, #tpu.memory_space<hbm>>
      tpu.wait_indirect_dma semaphore(%arg23 : memref<!tpu.dma_semaphore, #tpu.memory_space<semaphore_mem>>) src(%dma_wait3A_31 : memref<33554432xi32, #tpu.memory_space<hbm>>) dst(%arg19 : memref<8000xi32, #tpu.memory_space<vmem>>)
      %mul3A_32 = arith.constant 8000 : i32
      %mul3A_33 = arith.muli %add3A_11, %mul3A_32 : i32
      %dma_start3A = tpu.memref_slice %arg7[%mul3A_33] : memref<2000000xi32, #tpu.memory_space<hbm>> -> memref<8000xi32, #tpu.memory_space<hbm>>
      %dma_start3A_34 = tpu.memref_slice %arg7[%mul3A_33] : memref<2000000xi32, #tpu.memory_space<hbm>> -> memref<8000xi32, #tpu.memory_space<hbm>>
      tpu.enqueue_dma source(%arg19 : memref<8000xi32, #tpu.memory_space<vmem>>) target(%dma_start3A_34 : memref<8000xi32, #tpu.memory_space<hbm>>) target_semaphore(%arg25 : memref<!tpu.dma_semaphore, #tpu.memory_space<semaphore_mem>>)
    } else {
    }
    %add3A_17 = arith.constant 192 : i32
    %add3A_18 = arith.addi %add3A, %add3A_17 : i32
    %lt3A_19 = arith.constant 250 : i32
    %lt3A_20 = arith.cmpi slt, %add3A_18, %lt3A_19 : i32
    %convert_element_type3A_21 = arith.extui %lt3A_20 : i1 to i32
    %cond3A_22 = arith.constant 0 : i32
    %cond3A_23 = arith.cmpi ne, %convert_element_type3A_21, %cond3A_22 : i32
    scf.if %cond3A_23 {
      %dma_wait3A = arith.constant 0 : i32
      %dma_wait3A_31 = tpu.memref_slice %arg7[%dma_wait3A] : memref<2000000xi32, #tpu.memory_space<hbm>> -> memref<8000xi32, #tpu.memory_space<hbm>>
      %dma_wait3A_32 = arith.constant 0 : i32
      %dma_wait3A_33 = tpu.memref_slice %arg7[%dma_wait3A_32] : memref<2000000xi32, #tpu.memory_space<hbm>> -> memref<8000xi32, #tpu.memory_space<hbm>>
      tpu.wait_dma2 semaphore(%arg24 : memref<!tpu.dma_semaphore, #tpu.memory_space<semaphore_mem>>) src(%arg18 : memref<8000xi32, #tpu.memory_space<vmem>>) dst(%dma_wait3A_33 : memref<8000xi32, #tpu.memory_space<hbm>>)
    } else {
    }
    %add3A_24 = arith.constant 224 : i32
    %add3A_25 = arith.addi %add3A, %add3A_24 : i32
    %lt3A_26 = arith.constant 250 : i32
    %lt3A_27 = arith.cmpi slt, %add3A_25, %lt3A_26 : i32
    %convert_element_type3A_28 = arith.extui %lt3A_27 : i1 to i32
    %cond3A_29 = arith.constant 0 : i32
    %cond3A_30 = arith.cmpi ne, %convert_element_type3A_28, %cond3A_29 : i32
    scf.if %cond3A_30 {
      %dma_wait3A = arith.constant 0 : i32
      %dma_wait3A_31 = tpu.memref_slice %arg7[%dma_wait3A] : memref<2000000xi32, #tpu.memory_space<hbm>> -> memref<8000xi32, #tpu.memory_space<hbm>>
      %dma_wait3A_32 = arith.constant 0 : i32
      %dma_wait3A_33 = tpu.memref_slice %arg7[%dma_wait3A_32] : memref<2000000xi32, #tpu.memory_space<hbm>> -> memref<8000xi32, #tpu.memory_space<hbm>>
      tpu.wait_dma2 semaphore(%arg25 : memref<!tpu.dma_semaphore, #tpu.memory_space<semaphore_mem>>) src(%arg19 : memref<8000xi32, #tpu.memory_space<vmem>>) dst(%dma_wait3A_33 : memref<8000xi32, #tpu.memory_space<hbm>>)
    } else {
    }
    return
  }
}

</mosaic_0001>

<sc_bundles>
// kernel: kernel.3.cloned.1.call-start
scs
__scs_entry_jumppad:
0x0: {  	(pc) =	sbr.rel $0x88, $3  }
0x1: {  	(tag) =	ssettag $0x0;
	lr =	simm.s32 $0x1  }
0x2: {  	[smem:$0x3F9E] =	sst lr;
	_ =	strace $0xD0000000  }
0x3: {  	_ = 	snop  }
0x4: {  	_ = 	snop  }
0x5: {  	_ = 	snop  }
0x6: {  	_ = 	snop  }
0x7: {  	_ = 	snop  }
__scs_overlays_trampoline_lowered:
0x8: {  	[smem:$0x3FAD] =	sst s0  }
0x9: {  	[smem:$0x3FAE] =	sst s1  }
0xa: {  	[smem:$0x3FAF] =	sst s2  }
0xb: {  	[smem:$0x3FB0] =	sst s3  }
0xc: {  	[smem:$0x3FB1] =	sst s4  }
0xd: {  	[smem:$0x3FB2] =	sst s5  }
0xe: {  	[smem:$0x3FB3] =	sst s6  }
0xf: {  	[smem:$0x3FB4] =	sst s7  }
0x10: {  	[smem:$0x3FB5] =	sst s8  }
0x11: {  	[smem:$0x3FB6] =	sst s9;
	s0 =	simm.s32 @!p0 $0x0  }
0x12: {  	s1 =	sld [smem:$0x3F9C];
	s0 =	simm.s32 @p0 $0x1  }
0x13: {  	[smem:$0x3FB7] =	sst s0;
	s0 =	simm.s32 @!p1 $0x0  }
0x14: {  	s2 =	sld [smem:$0x3F9B];
	s0 =	simm.s32 @p1 $0x1  }
0x15: {  	[smem:$0x3FB8] =	sst s0;
	s0 =	simm.s32 @!p2 $0x0  }
0x16: {  	s3 =	sld [smem:$0x3FDB];
	s0 =	simm.s32 @p2 $0x1  }
0x17: {  	s4 =	simm.s32 $0x1BF5;
	[smem:$0x3FBA] =	sst s0  }
0x18: {  	s0 =	sld [smem:$0x3F9D];
	_ =	swait.ge [sflag:s4], $0x0  }
0x19: {  	s7 =	sld [smem:$0x3F9E]  }
0x1a: {  	s8 =	sadd.s32 $0xFFFFE003, lr  }
0x1b: {  	s9 =	sadd.s32 $0xFFFFFEF7, lr;
	s5 =	simm.s32 $0xFFFFFFFF;
	p2 =	slt.u32 s8, $0xFFFFF086  }
0x1c: {  	p1 =	slt.u32 s9, $0xF7A;
	s5 =	simm.s32 @!p2 $0x0  }
0x1d: {  	s5 =	simm.s32 @p1 $0x1;
	p0 =	seq.s32 s7, s2  }
0x1e: {  	s7 =	smul.u32 @!p0 $0xF7A, s2;
	p2 =	seq.s32 @!p0 s5, $0x0  }
0x1f: {  	s9 =	smul.u32 $0xF7A, s1;
	s8 =	simm.s32 @!p0 $0x1BF5;
	p2 =	por !p2, p0  }
0x20: {  	[sflag:s8] =	ssyncset.s32 @!p0 $0xFFFFF086;
	s6 =	sadd.s32 @!p0 s3, s7;
	s7 =	simm.s32 @!p0 $0x108  }
0x21: {  	s3 =	sadd.s32 s3, s9;
	s6 =	sadd.s32 @!p0 $0x88, s6;
	s7 =	simm.s32 @p2 $0x1082  }
0x22: {  	[simem:s7], [sflag:s8] =	dma.local @!p0 [hbm:s6], $0xF7A  }
0x23: {  	s9 =	sor.u32 $0xD0000000, s2;
	s6 =	simm.s32 $0x108;
	_ =	swait.ge @!p0 [sflag:s8], $0x0  }
0x24: {  	s3 =	sadd.s32 $0x88, s3;
	s6 =	simm.s32 @!p1 $0x1082;
	[sflag:s4] =	ssyncset.s32 $0xFFFFF086  }
0x25: {  	[simem:s6], [sflag:s4] =	dma.local [hbm:s3], $0xF7A  }
0x26: {  	[smem:$0x3F9E] =	sst s1;
	(tag) =	ssettag s2;
	_ =	strace s9  }
0x27: {  	s1 =	sld [smem:$0x3FAE]  }
0x28: {  	s2 =	sld [smem:$0x3FAF]  }
0x29: {  	s4 =	sld [smem:$0x3FB1]  }
0x2a: {  	p0 =	seq.s32 s5, $0x0;
	s5 =	sld [smem:$0x3FB2]  }
0x2b: {  	s6 =	sld [smem:$0x3FB3]  }
0x2c: {  	s7 =	sld [smem:$0x3FB4]  }
0x2d: {  	s3 =	simm.s32 $0x108;
	s8 =	sld [smem:$0x3FB5]  }
0x2e: {  	s3 =	simm.s32 @!p0 $0x1082;
	s9 =	sld [smem:$0x3FB6]  }
0x2f: {  	lr =	sadd.s32 s0, s3;
	s0 =	sld [smem:$0x3FAD]  }
0x30: {  	s3 =	sld [smem:$0x3FB0]  }
0x31: {  	[smem:$0x3FB9] =	sst s10  }
0x32: {  	s10 =	sld [smem:$0x3FB7];
	_ =	sdelay $0x3  }
0x33: {  	p0 =	seq.s32 s10, $0x1;
	s10 =	sld [smem:$0x3FB9];
	_ =	sdelay $0x3  }
0x34: {  	[smem:$0x3FB9] =	sst s10  }
0x35: {  	s10 =	sld [smem:$0x3FB8];
	_ =	sdelay $0x3  }
0x36: {  	p1 =	seq.s32 s10, $0x1;
	s10 =	sld [smem:$0x3FB9];
	_ =	sdelay $0x3  }
0x37: {  	[smem:$0x3FB9] =	sst s10  }
0x38: {  	s10 =	sld [smem:$0x3FBA]  }
0x39: {  	_ = 	snop;
	(pc) =	sbr.ind lr, $3  }
0x3a: {  	_ = 	snop  }
0x3b: {  	_ = 	snop  }
0x3c: {  	p2 =	seq.s32 s10, $0x1;
	s10 =	sld [smem:$0x3FB9]  }
0x3d: {  	_ =	shalt  }
0x3e: {  	_ =	shalt  }
0x3f: {  	_ =	shalt  }
0x40: {  	_ =	shalt  }
0x41: {  	_ =	shalt  }
0x42: {  	_ =	shalt  }
0x43: {  	_ =	shalt  }
0x44: {  	_ =	shalt  }
0x45: {  	_ =	shalt  }
0x46: {  	_ =	shalt  }
0x47: {  	_ =	shalt  }
0x48: {  	_ =	shalt  }
0x49: {  	_ =	shalt  }
0x4a: {  	_ =	shalt  }
0x4b: {  	_ =	shalt  }
0x4c: {  	_ =	shalt  }
0x4d: {  	_ =	shalt  }
0x4e: {  	_ =	shalt  }
0x4f: {  	_ =	shalt  }
0x50: {  	_ =	shalt  }
0x51: {  	_ =	shalt  }
0x52: {  	_ =	shalt  }
0x53: {  	_ =	shalt  }
0x54: {  	_ =	shalt  }
0x55: {  	_ =	shalt  }
0x56: {  	_ =	shalt  }
0x57: {  	_ =	shalt  }
0x58: {  	_ =	shalt  }
0x59: {  	_ =	shalt  }
0x5a: {  	_ =	shalt  }
0x5b: {  	_ =	shalt  }
0x5c: {  	_ =	shalt  }
0x5d: {  	_ =	shalt  }
0x5e: {  	_ =	shalt  }
0x5f: {  	_ =	shalt  }
0x60: {  	_ =	shalt  }
0x61: {  	_ =	shalt  }
0x62: {  	_ =	shalt  }
0x63: {  	_ =	shalt  }
0x64: {  	_ =	shalt  }
0x65: {  	_ =	shalt  }
0x66: {  	_ =	shalt  }
0x67: {  	_ =	shalt  }
0x68: {  	_ =	shalt  }
0x69: {  	_ =	shalt  }
0x6a: {  	_ =	shalt  }
0x6b: {  	_ =	shalt  }
0x6c: {  	_ =	shalt  }
0x6d: {  	_ =	shalt  }
0x6e: {  	_ =	shalt  }
0x6f: {  	_ =	shalt  }
0x70: {  	_ =	shalt  }
0x71: {  	_ =	shalt  }
0x72: {  	_ =	shalt  }
0x73: {  	_ =	shalt  }
0x74: {  	_ =	shalt  }
0x75: {  	_ =	shalt  }
0x76: {  	_ =	shalt  }
0x77: {  	_ =	shalt  }
0x78: {  	_ =	shalt  }
0x79: {  	_ =	shalt  }
0x7a: {  	_ =	shalt  }
0x7b: {  	_ =	shalt  }
0x7c: {  	_ =	shalt  }
0x7d: {  	_ =	shalt  }
0x7e: {  	_ =	shalt  }
0x7f: {  	_ =	shalt  }
0x80: {  	_ =	shalt  }
0x81: {  	_ =	shalt  }
0x82: {  	_ =	shalt  }
0x83: {  	_ =	shalt  }
0x84: {  	_ =	shalt  }
0x85: {  	_ =	shalt  }
0x86: {  	_ =	shalt  }
0x87: {  	_ =	shalt  }
.Lfunc_end0:
.L_simem_size_0:
called_computation_lowered:
.L_overlay_start_0:
0x88: {  	s2 =	sld [smem:$0x3FD9]  }
0x89: {  	s3 =	sld [smem:$0x3FFE];
	_ =	sdelay $0x1  }
0x8a: {  	s1 =	srdreg.scid  }
0x8b: {  	s0 =	sand.u32 $0x1, s1  }
0x8c: {  	s17 =	sshll.u32 s0, $0xA;
	s2 =	sadd.s32 s3, s2  }
0x8d: {  	s2 =	sadd.s32 s2, s17  }
0x8e: {  	[smem:$0x3FC5] =	sst s2  }
0x8f: {  	_ = 	snop  }
0x90: {  	s2 =	sld [smem:$0x3FC8];
	(tm) =	ssettm $0x1  }
0x91: {  	s18 =	sld [smem:$0x3FFB];
	_ =	sdelay $0x3  }
0x92: {  	_ =	strace s18  }
0x93: {  	s3 =	sld [smem:$0x3FFC];
	_ =	sdelay $0x3  }
0x94: {  	_ =	strace s3  }
0x95: {  	s3 =	sld [smem:$0x3FFD];
	_ =	sdelay $0x3  }
0x96: {  	_ =	strace s3  }
0x97: {  	_ =	strace $0x8FFFFFFF  }
0x98: {  	s19 =	sld [smem:$0x3FDB];
	_ =	sdelay $0x1  }
0x99: {  	s4 =	simm.s32 $_scs_section_size  }
0x9a: {  	s5 =	simm.s32 $_size__tile_overlayer_lowered;
	s6 =	simm.s32 $_tile_overlayer_lowered  }
0x9b: {  	s22 =	simm.s32 $0x1BFF;
	s21 =	sshll.u32 s6, $0x1;
	s3 =	sadd.s32 s4, s19  }
0x9c: {  	s7 =	simm.s32 $0x0;
	s20 =	sshll.u32 s5, $0x1;
	s5 =	sadd.s32 s21, s3  }
0x9d: {  	[timem:s7], [sflag:s22] =	dma.local [hbm:s5], s20  }
0x9e: {  	_ =	swait.ge [sflag:s22], s20  }
0x9f: {  	s4 =	ssub.s32 $0x0, s20;
	[sflag:s22] =	ssyncset.done $0x0  }
0xa0: {  	[sflag:s22] =	ssyncadd.s32 s4;
	_ =	sdelay $0x1  }
0xa1: {  	s23 =	simm.s32 $0x1B8B  }
0xa2: {  	_ =	swait.ge [sflag:s23], $0x1  }
0xa3: {  	[sflag:s23] =	ssyncset.done $0x0  }
0xa4: {  	s25 =	simm.s32 $0x1B8E;
	s24 =	sld [smem:$0x3FFE];
	[sflag:s23] =	ssyncadd.s32 $0xFFFFFFFF  }
0xa5: {  	s26 =	simm.s32 $execute0_lowered;
	[smem:$0x3FD2] =	sst s25  }
0xa6: {  	s5 =	sshll.u32 s26, $0x1;
	_ =	strace $0x80000046;
	[dreg:$0x1] =	wrdreg $0xFFFFFFFF  }
0xa7: {  	s28 =	simm.s32 $_size_execute0_lowered;
	s3 =	sadd.s32 s3, s5;
	[dreg:$0x0] =	wrdreg $0x0  }
0xa8: {  	s5 =	sshll.u32 s28, $0x1;
	[dreg:$0x2] =	wrdreg s3  }
0xa9: {  	[dreg:$0x3] =	wrdreg s5  }
0xaa: {  	[dreg:$0x4] =	wrdreg $0xC0  }
0xab: {  	_ =	task [dreg:s7], $0x5FFFF  }
0xac: {  	[dreg:$0x1] =	wrdreg $0xFFFFFFFF  }
0xad: {  	[dreg:$0x0] =	wrdreg $0x60  }
0xae: {  	[dreg:$0x2] =	wrdreg s24  }
0xaf: {  	[dreg:$0x3] =	wrdreg s2  }
0xb0: {  	[dreg:$0x4] =	wrdreg $0x9  }
0xb1: {  	_ =	task.clear_ibuf [dreg:s7], $0x5FFFF;
	_ =	strace $0x90000046  }
0xb2: {  	s29 =	simm.s32 $0x9;
	_ =	strace $0x80000048  }
0xb3: {  	_ =	swait.ge [sflag:s29], $0x1  }
0xb4: {  	[sflag:s29] =	ssyncadd.s32 $0xFFFFFFFF  }
0xb5: {  	_ =	strace $0x90000048  }
0xb6: {  	_ =	sfence  }
0xb7: {  	s30 =	sld [smem:$0x0];
	_ =	sdelay $0x2  }
0xb8: {  	s31 =	sshll.u32 s1, $0xD;
	s1 =	sshrl.u32 s1, $0x2  }
0xb9: {  	s3 =	sand.u32 $0x4000, s31;
	s1 =	sadd.s32 s1, s30  }
0xba: {  	s0 =	sor.u32 s3, s0;
	s1 =	sshll.u32 s1, $0x11  }
0xbb: {  	s0 =	sor.u32 s1, s0  }
0xbc: {  	s0 =	sadd.s32 $0x8F2B, s0  }
0xbd: {  	[sflag:s0] =	ssyncadd.remote.s32 $0x1  }
0xbe: {  	_ =	sfence.sel $0xFFFF  }
0xbf: {  	[dreg:$0x0] =	wrdreg $0xFFFFFFFF;
	(pc) =	sbr.abs _section_cstart, $3  }
0xc0: {  	[dreg:$0x1] =	wrdreg $0xFFFFFFFF  }
0xc1: {  	_ =	task.clear_ibuf [dreg:s7], $0x2FFFF;
	_ =	strace $0x9FFFFFFF  }
0xc2: {  	(tm) =	ssettm $0x7FFFFFFF  }
0xc3: {  	_ =	shalt  }
tec
execute0_lowered:
.L_overlay_start_1:
0x0: {  	(tag) =	ssettag $0x1  }
0x1: {  	s1 =	rddreg [dreg:$0x0]  }
0x2: {  	s2 =	rddreg [dreg:$0x1];
	s4 =	simm.s32 $0x0  }
0x3: {  	s0 =	srdreg.scid;
	s11 =	stileid.u32;
	s21 =	simm.s32 $0x1  }
0x4: {  	s22 =	simm.s32 $0x1F80;
	s23 =	simm.s32 $0x5E80;
	s24 =	simm.s32 $0x9D80  }
0x5: {  	s28 =	simm.s32 $0x3;
	s29 =	simm.s32 $0x13B00;
	s30 =	simm.s32 $0x0  }
0x6: {  	[smem:$0x7FF] =	sst s4;
	s0 =	sand.u32 $0x1, s0;
	s3 =	sshll.u32 s11, $0x1  }
0x7: {  	s5 =	sadd.s32 $0x7A400, s1;
	s6 =	sadd.s32 $0x3D200, s1;
	s8 =	sadd.s32 $0xB7600, s1  }
0x8: {  	s9 =	sadd.s32 $0x4B7600, s1;
	p0 =	sgt.u32 s11, $0xC;
	s7 =	sor.u32 s0, s3  }
0x9: {  	_ =	strace $0x80000047;
	s0 =	ssub.s32 $0x2, s0;
	s3 =	smul.u32 $0x3E8, s7  }
0xa: {  	s10 =	sshrl.u32 s0, $0x1;
	s14 =	smul.u32 $0x1F40, s7;
	s15 =	sor.u32 $0x40, s7  }
.Ltmp0:
0xb: {  	s0 =	ssub.s32 s0, s10;
	s25 =	sadd.s32 s5, s3;
	(pc) =	sbr.rel .LBB2_1-.Ltmp0, $4  }
0xc: {  	s26 =	sadd.s32 s6, s3;
	s12 =	sadd.s32 s1, s3;
	s13 =	sadd.s32 s2, s3  }
0xd: {  	s31 =	sshrl.u32 s14, $0x3;
	s14 =	sor.u32 $0xFFFFFFE0, s7;
	[dreg:$0x3] =	wrdreg s25  }
0xe: {  	s17 =	smax.u32 s0, $0x1;
	[dreg:$0x4] =	wrdreg s26;
	s3 =	sadd.s32 s9, s31  }
0xf: {  	s25 =	simm.s32 $0xDC80;
	s26 =	simm.s32 $0x2;
	s16 =	sadd.s32 $0x36B00, s3  }
.LBB2_9:
0x10: {  	s0 =	simm.s32 @!p0 $0x4  }
0x11: {  	_ =	swait.ge @!p0 [sflag:s0], $0x1F40  }
0x12: {  	[sflag:s0] =	ssyncset.done @!p0 $0x0  }
0x13: {  	s3 =	simm.s32 @!p0 $0x15A80;
	[sflag:s0] =	ssyncadd.s32 @!p0 $0xFFFFE0C0;
	s0 =	simm.s32 @!p0 $0x0  }
0x14: {  	[hbm4b:s16+s0] =	stream.linear.scatter @!p0 [tilespmem:s3], [sflag:$0x6], $0x1F40, $0x38;
	[tilespmem:$0x17A00] =	vst v63  }
0x15: {  	s30 =	sadd.s32 $0x1, s30;
	s0 =	simm.s32 @!p0 $0x5  }
0x16: {  	p1 =	sne.s32 s30, s17;
	_ =	swait.ge @!p0 [sflag:s0], $0x1F40  }
.Ltmp1:
0x17: {  	s3 =	simm.s32 @!p0 $0x6;
	[sflag:s0] =	ssyncset.done @!p0 $0x0;
	(pc) =	sbr.rel @!p1 .LBB2_10-.Ltmp1, $4  }
0x18: {  	s3 =	simm.s32 @p0 $0x5;
	[sflag:s0] =	ssyncadd.s32 @!p0 $0xFFFFE0C0  }
0x19: {  	_ =	swait.ge [sflag:s3], $0x1F40  }
0x1a: {  	[sflag:s3] =	ssyncset.done $0x0  }
0x1b: {  	[sflag:s3] =	ssyncadd.s32 $0xFFFFE0C0  }
.LBB2_1:
0x1c: {  	s0 =	rddreg [dreg:$0x3]  }
0x1d: {  	[tilespmem:s4], [sflag:$0x1] =	stream.linear.gather [hbm4b:s0+s4], $0x1F40, $0x38;
	[tilespmem:$0x17A00] =	vst v63  }
0x1e: {  	s18 =	rddreg [dreg:$0x4];
	s3 =	simm.s32 $0x3F00  }
0x1f: {  	[tilespmem:s3], [sflag:$0x1] =	stream.linear.gather [hbm4b:s18+s4], $0x1F40, $0x38;
	[tilespmem:$0x17A00] =	vst v63  }
.Ltmp2:
0x20: {  	_ = 	snop;
	(pc) =	sbr.rel .LBB2_2-.Ltmp2, $4  }
0x21: {  	s19 =	simm.s32 $0x7E00  }
0x22: {  	[tilespmem:s19], [sflag:$0x1] =	stream.linear.gather [hbm4b:s12+s4], $0x1F40, $0x38;
	[tilespmem:$0x17A00] =	vst v63  }
0x23: {  	s20 =	simm.s32 $0xBD00;
	s31 =	simm.s32 $0x0  }
0x24: {  	[tilespmem:s20], [sflag:$0x1] =	stream.linear.gather [hbm4b:s13+s4], $0x1F40, $0x38;
	[tilespmem:$0x17A00] =	vst v63  }
.LBB2_8:
0x25: {  	p2 =	seq.s32 s31, $0x0  }
0x26: {  	s10 =	simm.s32 @!p2 $0x6  }
0x27: {  	_ =	swait.ge @!p2 [sflag:s10], $0x1F40  }
0x28: {  	s11 =	simm.s32 @!p1 $0x11B80;
	[sflag:s10] =	ssyncset.done @!p2 $0x0  }
0x29: {  	s18 =	simm.s32 @!p1 $0x15A80;
	[sflag:s10] =	ssyncadd.s32 @!p2 $0xFFFFE0C0;
	s10 =	simm.s32 @!p1 $0x1F40  }
0x2a: {  	[tilespmem:s18], [sflag:$0x4] =	stream.indirect.gather @!p1 [hbm4b:s8+s10], $0x1, s11, s10, $0xb8;
	[tilespmem:$0x17A00] =	vst v63  }
0x2b: {  	s3 =	smul.u32 $0x3E8, s3;
	s0 =	sadd.s32 s15, s0;
	_ =	swait.ge [sflag:s28], $0x1F40  }
0x2c: {  	p1 =	sgt.u32 s0, $0xF9;
	[sflag:s28] =	ssyncset.done $0x0  }
0x2d: {  	s3 =	sadd.s32 s9, s3;
	s0 =	smul.u32 @!p1 $0x3E8, s0;
	[sflag:s28] =	ssyncadd.s32 $0xFFFFE0C0  }
0x2e: {  	[hbm4b:s3+s4] =	stream.linear.scatter [tilespmem:s29], [sflag:$0x5], $0x1F40, $0x38;
	[tilespmem:$0x17A00] =	vst v63  }
0x2f: {  	s10 =	simm.s32 @!p1 $0x0;
	s3 =	sadd.s32 @!p1 s5, s0  }
0x30: {  	[tilespmem:s10], [sflag:$0x1] =	stream.linear.gather @!p1 [hbm4b:s3+s10], $0x1F40, $0x38;
	[tilespmem:$0x17A00] =	vst v63  }
0x31: {  	s11 =	simm.s32 @!p1 $0x3F00;
	s3 =	sadd.s32 @!p1 s6, s0  }
0x32: {  	[tilespmem:s11], [sflag:$0x1] =	stream.linear.gather @!p1 [hbm4b:s3+s10], $0x1F40, $0x38;
	[tilespmem:$0x17A00] =	vst v63  }
0x33: {  	s3 =	sadd.s32 @!p1 s1, s0;
	s11 =	simm.s32 @!p1 $0x7E00  }
0x34: {  	[tilespmem:s11], [sflag:$0x1] =	stream.linear.gather @!p1 [hbm4b:s3+s10], $0x1F40, $0x38;
	[tilespmem:$0x17A00] =	vst v63  }
0x35: {  	s31 =	sadd.s32 $0x1, s31;
	s0 =	sadd.s32 @!p1 s2, s0;
	s3 =	simm.s32 @!p1 $0xBD00  }
0x36: {  	[tilespmem:s3], [sflag:$0x1] =	stream.linear.gather @!p1 [hbm4b:s0+s10], $0x1F40, $0x38;
	[tilespmem:$0x17A00] =	vst v63  }
0x37: {  	p1 =	sne.s32 s31, $0x4  }
.Ltmp3:
0x38: {  	_ = 	snop;
	(pc) =	sbr.rel @!p1 .LBB2_9-.Ltmp3, $1  }
0x39: {  	_ =	sdelay $0x3  }
.LBB2_2:
0x3a: {  	_ =	swait.ge [sflag:s21], $0x1F40  }
0x3b: {  	[sflag:s21] =	ssyncset.done $0x0  }
0x3c: {  	[sflag:s21] =	ssyncadd.s32 $0xFFFFE0C0  }
0x3d: {  	_ =	swait.ge [sflag:s21], $0x1F40  }
0x3e: {  	[sflag:s21] =	ssyncset.done $0x0  }
0x3f: {  	[sflag:s21] =	ssyncadd.s32 $0xFFFFE0C0  }
0x40: {  	_ =	swait.ge [sflag:s21], $0x1F40  }
0x41: {  	[sflag:s21] =	ssyncset.done $0x0  }
0x42: {  	[sflag:s21] =	ssyncadd.s32 $0xFFFFE0C0  }
0x43: {  	_ =	swait.ge [sflag:s21], $0x1F40  }
0x44: {  	[sflag:s21] =	ssyncset.done $0x0  }
0x45: {  	s20 =	simm.s32 $0x0;
	[sflag:s21] =	ssyncadd.s32 $0xFFFFE0C0  }
0x46: {  	v0 =	vld [tilespmem:s20+$0x0]  }
0x47: {  	v1 =	vld [tilespmem:s20+$0x7E00]  }
0x48: {  	s18 =	simm.s32 $0x10;
	v2 =	vld [tilespmem:s20+$0x3F00]  }
0x49: {  	v4 =	vld [tilespmem:s18+$0x3F00]  }
0x4a: {  	v3 =	vld [tilespmem:s18+$0x0]  }
0x4b: {  	v5 =	vld [tilespmem:s18+$0x7E00];
	v0 =	vmul.f32 $5.000000000e-01, v0;
	_ =	sdelay $0x1  }
0x4c: {  	s19 =	simm.s32 $0x20;
	v1 =	vmul.f32 $5.000000000e-01, v1;
	v0 =	vadd.f32 $5.000000000e-01, v0  }
0x4d: {  	v9 =	vld [tilespmem:s19+$0x0];
	v2 =	vmul.f32 $5.000000000e-01, v2;
	v4 =	vmul.f32 $5.000000000e-01, v4  }
0x4e: {  	v3 =	vmul.f32 $5.000000000e-01, v3;
	v1 =	vadd.f32 $5.000000000e-01, v1;
	v0 =	vmul.f32 $1.280000000e+02, v0  }
0x4f: {  	v2 =	vadd.f32 $5.000000000e-01, v2;
	v8 =	vadd.f32 $5.000000000e-01, v4;
	v4 =	vmul.f32 $5.000000000e-01, v5  }
0x50: {  	v3 =	vadd.f32 $5.000000000e-01, v3;
	v1 =	vmul.f32 $1.280000000e+02, v1;
	v0 =	vtrunc.f32 v0  }
0x51: {  	v6 =	vld [tilespmem:s20+$0xBD00];
	v2 =	vmul.f32 $1.280000000e+02, v2;
	v0 =	vcvt.f32.s32 v0  }
0x52: {  	v9 =	vmul.f32 $5.000000000e-01, v9;
	v3 =	vmul.f32 $1.280000000e+02, v3;
	v4 =	vadd.f32 $5.000000000e-01, v4  }
0x53: {  	v5 =	vld [tilespmem:s19+$0x3F00];
	v1 =	vtrunc.f32 v1;
	v2 =	vtrunc.f32 v2;
	vm0 =	vgt.s32 v0, $0x0  }
0x54: {  	v3 =	vtrunc.f32 v3;
	v4 =	vmul.f32 $1.280000000e+02, v4;
	v0 =	vnsel vm0, $0x0, v0  }
0x55: {  	v2 =	vcvt.f32.s32 v2;
	v3 =	vcvt.f32.s32 v3;
	v0 =	vmin.u32 v0, $0x7F  }
0x56: {  	v7 =	vshll.u32 v0, $0x7;
	v0 =	vcvt.f32.s32 v1;
	v1 =	vshll.u32 v6, $0xE  }
0x57: {  	vm0 =	vgt.s32 v2, $0x0;
	v7 =	vor.u32 v1, v7;
	v1 =	vtrunc.f32 v4;
	v4 =	vld [tilespmem:s19+$0x7E00]  }
0x58: {  	v5 =	vmul.f32 $5.000000000e-01, v5;
	vm1 =	vgt.s32 v3, $0x0;
	v2 =	vnsel vm0, $0x0, v2  }
0x59: {  	v8 =	vmul.f32 $1.280000000e+02, v8;
	v6 =	vnsel vm1, $0x0, v3;
	v2 =	vmin.u32 v2, $0x7F  }
0x5a: {  	s0 =	sshll.u32 s31, $0x6;
	v3 =	vadd.f32 $5.000000000e-01, v5;
	v6 =	vmin.u32 v6, $0x7F;
	v5 =	vor.u32 v2, v7;
	v2 =	vld [tilespmem:s18+$0xBD00]  }
0x5b: {  	s10 =	simm.s32 $0xC0;
	s3 =	sor.u32 s7, s0;
	vm0 =	vgt.s32 v0, $0x0;
	v7 =	vadd.f32 $5.000000000e-01, v9;
	v5 =	vshll.u32 v5, $0x7  }
.LBB2_3:
0x5c: {  	s11 =	sshra.s32 s10, $0x2;
	p1 =	sne.s32 s10, $0x7CC0;
	s10 =	sadd.s32 $0x40, s10;
	v4 =	vmul.f32 $5.000000000e-01, v4;
	v6 =	vshll.u32 v6, $0x7;
	v0 =	vnsel vm0, $0x0, v0;
	v9 =	vmovc v3  }
0x5d: {  	v3 =	vld [tilespmem:s11+$0x3F00];
	v7 =	vmul.f32 $1.280000000e+02, v7;
	v8 =	vtrunc.f32 v8;
	v0 =	vmin.u32 v0, $0x7F  }
0x5e: {  	v10 =	vld [tilespmem:s11+$0x0];
	v4 =	vadd.f32 $5.000000000e-01, v4;
	v8 =	vcvt.f32.s32 v8;
	v5 =	vor.u32 v0, v5  }
0x5f: {  	v0 =	vcvt.f32.s32 v1;
	v7 =	vtrunc.f32 v7;
	v1 =	vshll.u32 v2, $0xE;
	[tilespmem:s20+$0xFC00] =	vst v5;
	s20 =	smov.u32 s18;
	s18 =	smov.u32 s19;
	s19 =	smov.u32 s11  }
0x60: {  	v2 =	vcvt.f32.s32 v7;
	v5 =	vmul.f32 $1.280000000e+02, v4;
	vm0 =	vgt.s32 v8, $0x0  }
.Ltmp4:
0x61: {  	v4 =	vld [tilespmem:s19+$0x7E00];
	v7 =	vnsel vm0, $0x0, v8;
	vm0 =	vgt.s32 v0, $0x0;
	v8 =	vor.u32 v1, v6;
	(pc) =	sbr.rel @p1 .LBB2_3-.Ltmp4, $4  }
0x62: {  	v3 =	vmul.f32 $5.000000000e-01, v3;
	v1 =	vtrunc.f32 v5;
	vm1 =	vgt.s32 v2, $0x0  }
0x63: {  	v7 =	vmin.u32 v7, $0x7F;
	v5 =	vmul.f32 $5.000000000e-01, v10;
	v6 =	vnsel vm1, $0x0, v2  }
0x64: {  	v10 =	vor.u32 v7, v8;
	v3 =	vadd.f32 $5.000000000e-01, v3;
	v2 =	vld [tilespmem:s18+$0xBD00];
	v6 =	vmin.u32 v6, $0x7F  }
0x65: {  	v8 =	vmul.f32 $1.280000000e+02, v9;
	v7 =	vadd.f32 $5.000000000e-01, v5;
	v5 =	vshll.u32 v10, $0x7  }
0x66: {  	v4 =	vmul.f32 $5.000000000e-01, v4  }
0x67: {  	v6 =	vshll.u32 v6, $0x7;
	v1 =	vcvt.f32.s32 v1;
	v3 =	vmul.f32 $1.280000000e+02, v3  }
0x68: {  	v0 =	vnsel vm0, $0x0, v0;
	v7 =	vmul.f32 $1.280000000e+02, v7;
	v8 =	vtrunc.f32 v8  }
0x69: {  	v0 =	vmin.u32 v0, $0x7F;
	v4 =	vadd.f32 $5.000000000e-01, v4;
	v8 =	vcvt.f32.s32 v8  }
0x6a: {  	v0 =	vor.u32 v0, v5;
	vm13 =	vgt.s32 v1, $0x0;
	v3 =	vtrunc.f32 v3  }
0x6b: {  	v57 =	vtrunc.f32 v7;
	v2 =	vshll.u32 v2, $0xE;
	[tilespmem:s20+$0xFC00] =	vst v0;
	v3 =	vcvt.f32.s32 v3  }
0x6c: {  	v1 =	vnsel vm13, $0x0, v1;
	v5 =	vcvt.f32.s32 v57;
	v58 =	vmul.f32 $1.280000000e+02, v4;
	v60 =	vld [tilespmem:s19+$0xBD00]  }
0x6d: {  	vm12 =	vgt.s32 v8, $0x0;
	v2 =	vor.u32 v2, v6;
	v1 =	vmin.u32 v1, $0x7F  }
0x6e: {  	v59 =	vnsel vm12, $0x0, v8;
	vm14 =	vgt.s32 v3, $0x0;
	vm1 =	vgt.s32 v5, $0x0  }
0x6f: {  	v4 =	vmin.u32 v59, $0x7F;
	v0 =	vtrunc.f32 v58;
	v5 =	vnsel vm1, $0x0, v5  }
0x70: {  	v3 =	vnsel vm14, $0x0, v3;
	v0 =	vcvt.f32.s32 v0;
	v61 =	vmin.u32 v5, $0x7F  }
0x71: {  	v2 =	vor.u32 v4, v2;
	v4 =	vshll.u32 v61, $0x7;
	v62 =	vshll.u32 v60, $0xE  }
0x72: {  	v3 =	vmin.u32 v3, $0x7F;
	vm15 =	vgt.s32 v0, $0x0;
	v4 =	vor.u32 v62, v4  }
0x73: {  	v2 =	vshll.u32 v2, $0x7;
	v0 =	vnsel vm15, $0x0, v0;
	v3 =	vor.u32 v3, v4  }
0x74: {  	v1 =	vor.u32 v1, v2;
	v0 =	vmin.u32 v0, $0x7F;
	v63 =	vshll.u32 v3, $0x7  }
0x75: {  	p1 =	sne.s32 s31, $0x0;
	[tilespmem:s18+$0xFC00] =	vst v1;
	v0 =	vor.u32 v0, v63  }
0x76: {  	s10 =	simm.s32 @p1 $0x5;
	[tilespmem:s19+$0xFC00] =	vst v0  }
0x77: {  	_ =	swait.ge @p1 [sflag:s10], $0x1F40  }
0x78: {  	s11 =	simm.s32 @p1 $0xFC00;
	[sflag:s10] =	ssyncset.done @p1 $0x0  }
0x79: {  	s18 =	simm.s32 @p1 $0x13B00;
	[sflag:s10] =	ssyncadd.s32 @p1 $0xFFFFE0C0;
	s10 =	simm.s32 @p1 $0x1F40  }
0x7a: {  	[tilespmem:s18], [sflag:$0x3] =	stream.indirect.gather @p1 [hbm4b:s8+s10], $0x1, s11, s10, $0xb8;
	[tilespmem:$0x17A00] =	vst v63  }
0x7b: {  	s10 =	sadd.s32 @p1 s14, s0  }
0x7c: {  	s11 =	simm.s32 @p1 $0x4;
	s10 =	smul.u32 @p1 $0x1F40, s10  }
0x7d: {  	_ =	swait.ge @p1 [sflag:s11], $0x1F40  }
0x7e: {  	s18 =	simm.s32 @p1 $0x15A80;
	[sflag:s11] =	ssyncset.done @p1 $0x0;
	s10 =	sshrl.u32 @p1 s10, $0x3  }
0x7f: {  	[sflag:s11] =	ssyncadd.s32 @p1 $0xFFFFE0C0;
	s11 =	simm.s32 @p1 $0x0;
	s10 =	sadd.s32 @p1 s9, s10  }
0x80: {  	[hbm4b:s10+s11] =	stream.linear.scatter @p1 [tilespmem:s18], [sflag:$0x6], $0x1F40, $0x38;
	[tilespmem:$0x17A00] =	vst v63  }
0x81: {  	s10 =	simm.s32 @!p1 $0x1F40;
	s11 =	simm.s32 @!p1 $0xFC00;
	s18 =	simm.s32 @!p1 $0x13B00  }
0x82: {  	[tilespmem:s18], [sflag:$0x3] =	stream.indirect.gather @!p1 [hbm4b:s8+s10], $0x1, s11, s10, $0xb8;
	[tilespmem:$0x17A00] =	vst v63  }
0x83: {  	s10 =	sor.u32 $0x20, s3  }
0x84: {  	p1 =	sgt.u32 s10, $0xF9  }
.Ltmp5:
0x85: {  	_ = 	snop;
	(pc) =	sbr.rel @p1 .LBB2_8-.Ltmp5, $1  }
0x86: {  	_ =	sdelay $0x3  }
0x87: {  	s10 =	smul.u32 $0x3E8, s10;
	_ =	sdelay $0x1  }
0x88: {  	s18 =	simm.s32 $0x0;
	s11 =	sadd.s32 s5, s10  }
0x89: {  	[tilespmem:s22], [sflag:$0x2] =	stream.linear.gather [hbm4b:s11+s18], $0x1F40, $0x38;
	[tilespmem:$0x17A00] =	vst v63  }
0x8a: {  	s19 =	sadd.s32 s6, s10  }
0x8b: {  	[tilespmem:s23], [sflag:$0x2] =	stream.linear.gather [hbm4b:s19+s18], $0x1F40, $0x38;
	[tilespmem:$0x17A00] =	vst v63  }
0x8c: {  	s20 =	sadd.s32 s1, s10  }
0x8d: {  	[tilespmem:s24], [sflag:$0x2] =	stream.linear.gather [hbm4b:s20+s18], $0x1F40, $0x38;
	[tilespmem:$0x17A00] =	vst v63  }
0x8e: {  	s10 =	sadd.s32 s2, s10  }
0x8f: {  	[tilespmem:s25], [sflag:$0x2] =	stream.linear.gather [hbm4b:s10+s18], $0x1F40, $0x38;
	[tilespmem:$0x17A00] =	vst v63  }
0x90: {  	_ =	swait.ge [sflag:s26], $0x1F40  }
0x91: {  	[sflag:s26] =	ssyncset.done $0x0  }
0x92: {  	[sflag:s26] =	ssyncadd.s32 $0xFFFFE0C0  }
0x93: {  	_ =	swait.ge [sflag:s26], $0x1F40  }
0x94: {  	[sflag:s26] =	ssyncset.done $0x0  }
0x95: {  	[sflag:s26] =	ssyncadd.s32 $0xFFFFE0C0  }
0x96: {  	_ =	swait.ge [sflag:s26], $0x1F40  }
0x97: {  	[sflag:s26] =	ssyncset.done $0x0  }
0x98: {  	[sflag:s26] =	ssyncadd.s32 $0xFFFFE0C0  }
0x99: {  	_ =	swait.ge [sflag:s26], $0x1F40  }
0x9a: {  	[sflag:s26] =	ssyncset.done $0x0  }
0x9b: {  	s20 =	simm.s32 $0x0;
	[sflag:s26] =	ssyncadd.s32 $0xFFFFE0C0  }
0x9c: {  	v0 =	vld [tilespmem:s20+$0x1F80]  }
0x9d: {  	v1 =	vld [tilespmem:s20+$0x9D80]  }
0x9e: {  	s18 =	simm.s32 $0x10;
	v2 =	vld [tilespmem:s20+$0x5E80]  }
0x9f: {  	v4 =	vld [tilespmem:s18+$0x5E80]  }
0xa0: {  	v3 =	vld [tilespmem:s18+$0x1F80]  }
0xa1: {  	v5 =	vld [tilespmem:s18+$0x9D80];
	v0 =	vmul.f32 $5.000000000e-01, v0;
	_ =	sdelay $0x1  }
0xa2: {  	s19 =	simm.s32 $0x20;
	v1 =	vmul.f32 $5.000000000e-01, v1;
	v0 =	vadd.f32 $5.000000000e-01, v0  }
0xa3: {  	v9 =	vld [tilespmem:s19+$0x1F80];
	v2 =	vmul.f32 $5.000000000e-01, v2;
	v4 =	vmul.f32 $5.000000000e-01, v4  }
0xa4: {  	v3 =	vmul.f32 $5.000000000e-01, v3;
	v1 =	vadd.f32 $5.000000000e-01, v1;
	v0 =	vmul.f32 $1.280000000e+02, v0  }
0xa5: {  	v2 =	vadd.f32 $5.000000000e-01, v2;
	v8 =	vadd.f32 $5.000000000e-01, v4;
	v4 =	vmul.f32 $5.000000000e-01, v5  }
0xa6: {  	v3 =	vadd.f32 $5.000000000e-01, v3;
	v1 =	vmul.f32 $1.280000000e+02, v1;
	v0 =	vtrunc.f32 v0  }
0xa7: {  	v6 =	vld [tilespmem:s20+$0xDC80];
	v2 =	vmul.f32 $1.280000000e+02, v2;
	v0 =	vcvt.f32.s32 v0  }
0xa8: {  	v9 =	vmul.f32 $5.000000000e-01, v9;
	v3 =	vmul.f32 $1.280000000e+02, v3;
	v4 =	vadd.f32 $5.000000000e-01, v4  }
0xa9: {  	v5 =	vld [tilespmem:s19+$0x5E80];
	v1 =	vtrunc.f32 v1;
	v2 =	vtrunc.f32 v2;
	vm0 =	vgt.s32 v0, $0x0  }
0xaa: {  	v3 =	vtrunc.f32 v3;
	v4 =	vmul.f32 $1.280000000e+02, v4;
	v0 =	vnsel vm0, $0x0, v0  }
0xab: {  	v2 =	vcvt.f32.s32 v2;
	v3 =	vcvt.f32.s32 v3;
	v0 =	vmin.u32 v0, $0x7F  }
0xac: {  	v7 =	vshll.u32 v0, $0x7;
	v0 =	vcvt.f32.s32 v1;
	v1 =	vshll.u32 v6, $0xE  }
0xad: {  	vm0 =	vgt.s32 v2, $0x0;
	v7 =	vor.u32 v1, v7;
	v1 =	vtrunc.f32 v4;
	v4 =	vld [tilespmem:s19+$0x9D80]  }
0xae: {  	v5 =	vmul.f32 $5.000000000e-01, v5;
	vm1 =	vgt.s32 v3, $0x0;
	v2 =	vnsel vm0, $0x0, v2  }
0xaf: {  	v8 =	vmul.f32 $1.280000000e+02, v8;
	v6 =	vnsel vm1, $0x0, v3;
	v2 =	vmin.u32 v2, $0x7F  }
0xb0: {  	v3 =	vadd.f32 $5.000000000e-01, v5;
	v6 =	vmin.u32 v6, $0x7F;
	v5 =	vor.u32 v2, v7;
	v2 =	vld [tilespmem:s18+$0xDC80]  }
0xb1: {  	s10 =	simm.s32 $0xC0;
	vm0 =	vgt.s32 v0, $0x0;
	v7 =	vadd.f32 $5.000000000e-01, v9;
	v5 =	vshll.u32 v5, $0x7  }
.LBB2_6:
0xb2: {  	s11 =	sshra.s32 s10, $0x2;
	p2 =	sne.s32 s10, $0x7CC0;
	s10 =	sadd.s32 $0x40, s10;
	v4 =	vmul.f32 $5.000000000e-01, v4;
	v6 =	vshll.u32 v6, $0x7;
	v0 =	vnsel vm0, $0x0, v0;
	v9 =	vmovc v3  }
0xb3: {  	v3 =	vld [tilespmem:s11+$0x5E80];
	v7 =	vmul.f32 $1.280000000e+02, v7;
	v8 =	vtrunc.f32 v8;
	v0 =	vmin.u32 v0, $0x7F  }
0xb4: {  	v10 =	vld [tilespmem:s11+$0x1F80];
	v4 =	vadd.f32 $5.000000000e-01, v4;
	v8 =	vcvt.f32.s32 v8;
	v5 =	vor.u32 v0, v5  }
0xb5: {  	v0 =	vcvt.f32.s32 v1;
	v7 =	vtrunc.f32 v7;
	v1 =	vshll.u32 v2, $0xE;
	[tilespmem:s20+$0x11B80] =	vst v5;
	s20 =	smov.u32 s18;
	s18 =	smov.u32 s19;
	s19 =	smov.u32 s11  }
0xb6: {  	v2 =	vcvt.f32.s32 v7;
	v5 =	vmul.f32 $1.280000000e+02, v4;
	vm0 =	vgt.s32 v8, $0x0  }
.Ltmp6:
0xb7: {  	v4 =	vld [tilespmem:s19+$0x9D80];
	v7 =	vnsel vm0, $0x0, v8;
	vm0 =	vgt.s32 v0, $0x0;
	v8 =	vor.u32 v1, v6;
	(pc) =	sbr.rel @p2 .LBB2_6-.Ltmp6, $4  }
0xb8: {  	v3 =	vmul.f32 $5.000000000e-01, v3;
	v1 =	vtrunc.f32 v5;
	vm1 =	vgt.s32 v2, $0x0  }
0xb9: {  	v7 =	vmin.u32 v7, $0x7F;
	v5 =	vmul.f32 $5.000000000e-01, v10;
	v6 =	vnsel vm1, $0x0, v2  }
0xba: {  	v10 =	vor.u32 v7, v8;
	v3 =	vadd.f32 $5.000000000e-01, v3;
	v2 =	vld [tilespmem:s18+$0xDC80];
	v6 =	vmin.u32 v6, $0x7F  }
0xbb: {  	v8 =	vmul.f32 $1.280000000e+02, v9;
	v7 =	vadd.f32 $5.000000000e-01, v5;
	v5 =	vshll.u32 v10, $0x7  }
0xbc: {  	v4 =	vmul.f32 $5.000000000e-01, v4  }
0xbd: {  	v6 =	vshll.u32 v6, $0x7;
	v1 =	vcvt.f32.s32 v1;
	v3 =	vmul.f32 $1.280000000e+02, v3  }
0xbe: {  	v0 =	vnsel vm0, $0x0, v0;
	v7 =	vmul.f32 $1.280000000e+02, v7;
	v8 =	vtrunc.f32 v8  }
0xbf: {  	v0 =	vmin.u32 v0, $0x7F;
	v4 =	vadd.f32 $5.000000000e-01, v4;
	v8 =	vcvt.f32.s32 v8  }
0xc0: {  	v0 =	vor.u32 v0, v5;
	vm13 =	vgt.s32 v1, $0x0;
	v3 =	vtrunc.f32 v3  }
0xc1: {  	v57 =	vtrunc.f32 v7;
	v2 =	vshll.u32 v2, $0xE;
	[tilespmem:s20+$0x11B80] =	vst v0;
	v3 =	vcvt.f32.s32 v3  }
0xc2: {  	v1 =	vnsel vm13, $0x0, v1;
	v5 =	vcvt.f32.s32 v57;
	v58 =	vmul.f32 $1.280000000e+02, v4;
	v60 =	vld [tilespmem:s19+$0xDC80]  }
0xc3: {  	vm12 =	vgt.s32 v8, $0x0;
	v2 =	vor.u32 v2, v6;
	v1 =	vmin.u32 v1, $0x7F  }
0xc4: {  	v59 =	vnsel vm12, $0x0, v8;
	vm14 =	vgt.s32 v3, $0x0;
	vm1 =	vgt.s32 v5, $0x0  }
0xc5: {  	v4 =	vmin.u32 v59, $0x7F;
	v0 =	vtrunc.f32 v58;
	v5 =	vnsel vm1, $0x0, v5  }
0xc6: {  	v3 =	vnsel vm14, $0x0, v3;
	v0 =	vcvt.f32.s32 v0;
	v61 =	vmin.u32 v5, $0x7F  }
0xc7: {  	v2 =	vor.u32 v4, v2;
	v4 =	vshll.u32 v61, $0x7;
	v62 =	vshll.u32 v60, $0xE  }
.Ltmp7:
0xc8: {  	v3 =	vmin.u32 v3, $0x7F;
	vm15 =	vgt.s32 v0, $0x0;
	v4 =	vor.u32 v62, v4;
	(pc) =	sbr.rel .LBB2_8-.Ltmp7, $4  }
0xc9: {  	v2 =	vshll.u32 v2, $0x7;
	v0 =	vnsel vm15, $0x0, v0;
	v3 =	vor.u32 v3, v4  }
0xca: {  	v1 =	vor.u32 v1, v2;
	v0 =	vmin.u32 v0, $0x7F;
	v63 =	vshll.u32 v3, $0x7  }
0xcb: {  	[tilespmem:s18+$0x11B80] =	vst v1;
	v0 =	vor.u32 v0, v63  }
0xcc: {  	[tilespmem:s19+$0x11B80] =	vst v0  }
.LBB2_10:
0xcd: {  	_ =	sfence.sel $0x180000  }
0xce: {  	[bflag:$0x0] =	sbarrier.arrive $0xFFFF  }
0xcf: {  	_ =	strace $0x90000047  }
0xd0: {  	s0 =	stileid.u32;
	[bflag:$0x2] =	sbarrier.arrive $0xFFFF  }
0xd1: {  	p0 =	sne.s32 s0, $0x0;
	s0 =	rddreg [dreg:$0x2]  }
0xd2: {  	s0 =	sadd.s32 @!p0 $0x100000, s0  }
0xd3: {  	[sflag:s0] =	ssyncadd.tile.s32 @!p0 $0x1;
	_ =	shalt  }
.Lfunc_end2:
_tile_overlayer_lowered:
.L_overlay_start_2:
0xd4: {  	(tag) =	ssettag $0x2  }
0xd5: {  	s0 =	rddreg [dreg:$0x0];
	s2 =	stileid.u32  }
0xd6: {  	s1 =	rddreg [dreg:$0x1];
	p0 =	sne.s32 s2, $0x0  }
0xd7: {  	s3 =	rddreg [dreg:$0x2];
	[bflag:$0x3] =	sbarrier.arrive $0xFFFF;
	s2 =	simm.s32 @!p0 $0x1C07  }
0xd8: {  	[timem:s3], [sflag:s2] =	dma.local @!p0 [hbm:s0], s1  }
0xd9: {  	s0 =	simm.s32 @!p0 $0x7  }
0xda: {  	_ =	swait.ge @!p0 [sflag:s0], s1  }
0xdb: {  	s1 =	ssub.s32 @!p0 $0x0, s1;
	[sflag:s0] =	ssyncset.done @!p0 $0x0  }
0xdc: {  	[sflag:s0] =	ssyncadd.s32 @!p0 s1  }
0xdd: {  	[bflag:$0x3] =	sbarrier.arrive $0xFFFF  }
0xde: {  	_ =	shalt  }

</sc_bundles>
